<compile_context>
chip_gen: v7x
topology: tpu7x:2x2x1
jax: 0.10.2.dev20260603
libtpu: 0.0.44.dev20260713+nightly
codegen_flags: <defaults>
</compile_context>

<pallas_src>
import jax
import jax.numpy as jnp
from jax import lax
from jax.experimental import pallas as pl
from jax.experimental.pallas import tpu as pltpu
from jax.experimental.pallas import tpu_sc as plsc

_N = 16384
_B = 512
_FEAT = 128
_EMB = 64
_MESH = 64
_OUT = 128
_E = 262144
_NB = _N // _B
_AUG = 80

_CH = 128
_NW = 32
_EPW = _E // _NW
_NCH = _EPW // _CH
_RPS = _N // 16

_HIGH = lax.Precision.HIGHEST


def _mine_body(f_ref, wp_ref, sp_ref, pos_ref, neg_ref, aug_ref):
    f = f_ref[...]
    g = lax.dot_general(f, f, (((1,), (1,)), ((), ())),
                        preferred_element_type=jnp.float32)
    sq = jnp.sum(f * f, axis=1)
    d2 = sq[:, None] + sq[None, :] - 2.0 * g
    dkey = jnp.sqrt(jnp.maximum(d2, 0.0))
    col = lax.broadcasted_iota(jnp.int32, (_B, _B), 1)
    row = lax.broadcasted_iota(jnp.int32, (_B, _B), 0)
    inf = jnp.float32(jnp.inf)

    def pick(dm, onehots, largest, last):
        m = (jnp.max if largest else jnp.min)(dm, axis=1, keepdims=True)
        first = jnp.min(jnp.where(dm == m, col, _B), axis=1, keepdims=True)
        oh = col == first
        onehots.append(oh)
        if last:
            return dm
        return jnp.where(oh, -inf if largest else inf, dm)

    pos_oh = []
    dm = jnp.where(col == row, inf, dkey)
    for k in range(5):
        dm = pick(dm, pos_oh, largest=False, last=k == 4)
    neg_oh = []
    dm = dkey
    for k in range(5):
        dm = pick(dm, neg_oh, largest=True, last=k == 4)
    neg_oh.reverse()

    emb = lax.dot_general(f, wp_ref[...], (((1,), (0,)), ((), ())),
                          preferred_element_type=jnp.float32)
    eps = jnp.float32(1e-6)

    h1 = emb.astype(jnp.bfloat16).astype(jnp.float32)
    r1 = emb - h1
    h2 = r1.astype(jnp.bfloat16).astype(jnp.float32)
    h3 = r1 - h2

    def cand_dist(oh):
        ohf = oh.astype(jnp.float32)

        def ext(part):
            return lax.dot_general(ohf, part, (((1,), (0,)), ((), ())),
                                   preferred_element_type=jnp.float32)
        c = (ext(h1) + ext(h2)) + ext(h3)
        dif = emb - c + eps
        return c, jnp.sqrt(jnp.sum(dif * dif, axis=1, keepdims=True))

    bc, bd = cand_dist(pos_oh[0])
    for oh in pos_oh[1:]:
        c, dd = cand_dist(oh)
        upd = dd > bd
        bd = jnp.where(upd, dd, bd)
        bc = jnp.where(upd, c, bc)
    pos_ref[...] = bc

    bc, bd = cand_dist(neg_oh[0])
    for oh in neg_oh[1:]:
        c, dd = cand_dist(oh)
        upd = dd < bd
        bd = jnp.where(upd, dd, bd)
        bc = jnp.where(upd, c, bc)
    neg_ref[...] = bc

    sp_ref[...] = emb
    aug_ref[...] = jnp.concatenate(
        [emb, jnp.ones((_B, 1), jnp.float32),
         jnp.zeros((_B, _AUG - _EMB - 1), jnp.float32)], axis=1)


def _mine(feats, wp):
    return pl.pallas_call(
        _mine_body,
        grid=(_NB,),
        in_specs=[
            pl.BlockSpec((_B, _FEAT), lambda i: (i, 0)),
            pl.BlockSpec((_FEAT, _EMB), lambda i: (0, 0)),
        ],
        out_specs=[
            pl.BlockSpec((_B, _EMB), lambda i: (i, 0)),
            pl.BlockSpec((_B, _EMB), lambda i: (i, 0)),
            pl.BlockSpec((_B, _EMB), lambda i: (i, 0)),
            pl.BlockSpec((_B, _AUG), lambda i: (i, 0)),
        ],
        out_shape=[
            jax.ShapeDtypeStruct((_N, _EMB), jnp.float32),
            jax.ShapeDtypeStruct((_N, _EMB), jnp.float32),
            jax.ShapeDtypeStruct((_N, _EMB), jnp.float32),
            jax.ShapeDtypeStruct((_N, _AUG), jnp.float32),
        ],
    )(feats, wp)


def _seg_body(table, ei3, out, src_v, dst_v, rows0, rows1, zbuf, acc,
              sem0, sem1):
    cid = lax.axis_index("c")
    sid = lax.axis_index("s")
    wid = sid * 2 + cid

    def zrow(i, carry):
        for j in range(_AUG // 16):
            zbuf[i, pl.ds(j * 16, 16)] = jnp.zeros((16,), jnp.float32)
        return carry
    lax.fori_loop(0, 128, zrow, 0)
    for r in range(_RPS // 128):
        pltpu.sync_copy(zbuf, acc.at[pl.ds(sid * _RPS + r * 128, 128)])
    plsc.subcore_barrier()

    pltpu.sync_copy(ei3.at[0, pl.ds(wid * _NCH, _NCH)], src_v)
    pltpu.sync_copy(ei3.at[1, pl.ds(wid * _NCH, _NCH)], dst_v)

    def gather(c, buf, sem):
        return pltpu.make_async_copy(table.at[src_v.at[c]], buf, sem)

    gather(0, rows0, sem0).start()
    gather(1, rows1, sem1).start()

    def pair(j, carry):
        c0 = j * 2
        for c, buf, sem in ((c0, rows0, sem0), (c0 + 1, rows1, sem1)):
            gather(c, buf, sem).wait()
            pltpu.sync_copy(buf, acc.at[dst_v.at[c]], add=True)

            @pl.when(c + 2 < _NCH)
            def _():
                gather(c + 2, buf, sem).start()
        return carry
    lax.fori_loop(0, _NCH // 2, pair, 0)

    plsc.subcore_barrier()
    pltpu.sync_copy(acc.at[pl.ds(sid * _RPS, _RPS)],
                    out.at[pl.ds(cid * _N + sid * _RPS, _RPS)])


def _segsum(aug, ei3):
    k = pl.kernel(
        _seg_body,
        out_type=jax.ShapeDtypeStruct((2 * _N, _AUG), jnp.float32),
        mesh=plsc.VectorSubcoreMesh(core_axis_name="c", subcore_axis_name="s"),
        scratch_types=[
            pltpu.VMEM((_NCH, _CH), jnp.int32),
            pltpu.VMEM((_NCH, _CH), jnp.int32),
            pltpu.VMEM((_CH, _AUG), jnp.float32),
            pltpu.VMEM((_CH, _AUG), jnp.float32),
            pltpu.VMEM((128, _AUG), jnp.float32),
            pltpu.VMEM_SHARED((_N, _AUG), jnp.float32),
            pltpu.SemaphoreType.DMA,
            pltpu.SemaphoreType.DMA,
        ],
        compiler_params=pltpu.CompilerParams(use_tc_tiling_on_sc=False),
    )
    return k(aug, ei3)


def _head_body(p0_ref, p1_ref, wm_ref, wc_ref, mg_ref, lg_ref):
    accv = p0_ref[...] + p1_ref[...]
    agg = accv[:, :_EMB]
    deg = accv[:, _EMB:_EMB + 1]
    mean = agg / jnp.maximum(deg, 1.0)
    mg = jnp.maximum(
        lax.dot_general(mean, wm_ref[...], (((1,), (0,)), ((), ())),
                        preferred_element_type=jnp.float32), 0.0)
    mg_ref[...] = mg
    lg_ref[...] = lax.dot_general(mg, wc_ref[...], (((1,), (0,)), ((), ())),
                                  preferred_element_type=jnp.float32)


def _head(partials, wm, wc):
    return pl.pallas_call(
        _head_body,
        grid=(_NB,),
        in_specs=[
            pl.BlockSpec((_B, _AUG), lambda i: (i, 0)),
            pl.BlockSpec((_B, _AUG), lambda i: (i + _NB, 0)),
            pl.BlockSpec((_MESH, _MESH), lambda i: (0, 0)),
            pl.BlockSpec((_MESH, _OUT), lambda i: (0, 0)),
        ],
        out_specs=[
            pl.BlockSpec((_B, _MESH), lambda i: (i, 0)),
            pl.BlockSpec((_B, _OUT), lambda i: (i, 0)),
        ],
        out_shape=[
            jax.ShapeDtypeStruct((_N, _MESH), jnp.float32),
            jax.ShapeDtypeStruct((_N, _OUT), jnp.float32),
        ],
    )(partials, partials, wm, wc)


def kernel(patch_feats, edge_index, W_patch, W_mesh, W_cls):
    sp, pos, neg, aug = _mine(patch_feats, W_patch)
    partials = _segsum(aug, edge_index.reshape(2, _E // _CH, _CH))
    mg, logits = _head(partials, W_mesh, W_cls)
    return (logits, mg, sp, pos, neg)

# --- scband reference (transcript-rebuilt; emitter-appended) ---
"""Pipeline reference for scband-test-network-8538394984947 (READ-ONLY COPY).

The authoritative reference and input builder live on the scoring server;
editing this copy changes nothing except your own understanding.
"""

import jax, jax.numpy as jnp
import numpy as np

N = 16384
B = 512
FEAT = 128
EMB = 64
MESH = 64
OUT = 128
E = 262144


def setup_inputs(seed: int = 0) -> dict:
    key = jax.random.key(seed)
    k1, k2, k3, k4, k5 = jax.random.split(key, 5)
    patch_feats = jax.random.normal(k1, (N, FEAT), dtype=jnp.float32)
    edge_index = jax.random.randint(k2, (2, E), 0, N, dtype=jnp.int32)
    W_patch = jax.random.normal(k3, (FEAT, EMB), dtype=jnp.float32) * 0.05
    W_mesh = jax.random.normal(k4, (EMB, MESH), dtype=jnp.float32) * 0.05
    W_cls = jax.random.normal(k5, (MESH, OUT), dtype=jnp.float32) * 0.05
    return {"patch_feats": patch_feats, "edge_index": edge_index,
            "W_patch": W_patch, "W_mesh": W_mesh, "W_cls": W_cls}


def reference(patch_feats, edge_index, W_patch, W_mesh, W_cls):
    nb = N // B
    feats = patch_feats.reshape(nb, B, FEAT)

    def per_batch(f):
        # SPMatrixDistanceV1: pairwise L2 distance on aggregated feats
        sq = jnp.sum(f * f, axis=1)
        D2 = sq[:, None] + sq[None, :] - 2.0 * (f @ f.T)
        D = jnp.sqrt(jnp.maximum(D2, 0.0))
        sorted_idx = jnp.argsort(D, axis=1)
        neg_idx = sorted_idx[:, -5:]   # 5 farthest
        pos_idx = sorted_idx[:, 1:6]   # 5 nearest (excluding self)
        # patch embedder (linear stand-in)
        emb = f @ W_patch
        # hardest-negative / hardest-positive mining (pairwise_distance, eps=1e-6)
        dneg = jnp.linalg.norm(emb[:, None, :] - emb[neg_idx] + 1e-6, axis=-1)
        dpos = jnp.linalg.norm(emb[:, None, :] - emb[pos_idx] + 1e-6, axis=-1)
        hn = jnp.argmin(dneg, axis=1)
        hp = jnp.argmax(dpos, axis=1)
        ar = jnp.arange(B)
        pos_emb = emb[pos_idx][ar, hp]
        neg_emb = emb[neg_idx][ar, hn]
        return emb, pos_emb, neg_emb

    emb, pos, neg = jax.vmap(per_batch)(feats)
    SP_embeddings = emb.reshape(N, EMB)
    positive_embeddings = pos.reshape(N, EMB)
    negative_embeddings = neg.reshape(N, EMB)

    # mesh embedder: mean-aggregate SP embeddings over mesh graph, then linear
    src = edge_index[0]
    dst = edge_index[1]
    agg = jax.ops.segment_sum(SP_embeddings[src], dst, num_segments=N)
    deg = jax.ops.segment_sum(jnp.ones((E,), dtype=SP_embeddings.dtype), dst, num_segments=N)
    MG_embeddings = jax.nn.relu((agg / jnp.maximum(deg, 1.0)[:, None]) @ W_mesh)

    logits = MG_embeddings @ W_cls  # classifier, bias=False
    return (logits, MG_embeddings, SP_embeddings, positive_embeddings, negative_embeddings)

if __name__ == "__main__":
    import jax
    _d = setup_inputs()
    print(jax.jit(kernel)(*tuple(_d.values())))

</pallas_src>

<mosaic_0001>
#map = affine_map<(d0, d1) -> (0, 0)>
#map1 = affine_map<(d0, d1) -> (0, 0, 0)>
module attributes {stable_mosaic.version = 14 : i64} {
  func.func @_seg_body(%arg0: i32, %arg1: i32, %arg2: memref<16384x80xf32, #tpu.memory_space<hbm>>, %arg3: memref<2x2048x128xi32, #tpu.memory_space<hbm>>, %arg4: memref<32768x80xf32, #tpu.memory_space<hbm>>, %arg5: memref<64x128xi32, #tpu.memory_space<vmem>>, %arg6: memref<64x128xi32, #tpu.memory_space<vmem>>, %arg7: memref<128x80xf32, #tpu.memory_space<vmem>>, %arg8: memref<128x80xf32, #tpu.memory_space<vmem>>, %arg9: memref<128x80xf32, #tpu.memory_space<vmem>>, %arg10: memref<16384x80xf32, #tpu.memory_space<vmem_shared>>, %arg11: memref<!tpu.dma_semaphore, #tpu.memory_space<semaphore_mem>>, %arg12: memref<!tpu.dma_semaphore, #tpu.memory_space<semaphore_mem>>) attributes {dimension_semantics = [#tpu.dimension_semantics<core_parallel>, #tpu.dimension_semantics<subcore_parallel>], iteration_bounds = array<i64: 2, 16>, scalar_prefetch = 0 : i64, scratch_operands = 8 : i64, tpu.core_type = #tpu.core_type<sc_vector_subcore>, window_params = [{transform_indices = #map}, {transform_indices = #map1}, {transform_indices = #map}]} {
    %mul3A = arith.constant 2 : i32
    %mul3A_0 = arith.muli %arg1, %mul3A : i32
    %add3A = arith.addi %mul3A_0, %arg0 : i32
    %scan3A = arith.constant 0 : i32
    %scan3A_1 = arith.constant 0 : i32
    %scan3A_2 = arith.constant 128 : i32
    %scan3A_3 = arith.addi %scan3A_1, %scan3A_2 : i32
    %scan3A_4 = arith.constant 1 : i32
    scf.for %scan3A_70 = %scan3A_1 to %scan3A_3 step %scan3A_4  : i32 {
      %broadcast_in_dim3A = arith.constant 0.000000e+00 : f32
      %broadcast_in_dim3A_71 = vector.broadcast %broadcast_in_dim3A : f32 to vector<16xf32>
      %swap3A = arith.index_cast %scan3A_70 : i32 to index
      %swap3A_72 = arith.constant 0 : index
      %swap3A_73 = tpu.vector_load %arg9[%swap3A, %swap3A_72] {strides = array<i32>} : memref<128x80xf32, #tpu.memory_space<vmem>>, vector<1x16xf32>,
      %swap3A_74 = vector.shape_cast %swap3A_73 : vector<1x16xf32> to vector<16xf32>
      %swap3A_75 = vector.shape_cast %broadcast_in_dim3A_71 : vector<16xf32> to vector<1x16xf32>
      tpu.vector_store %arg9[%swap3A, %swap3A_72], %swap3A_75 {strides = array<i32>} : memref<128x80xf32, #tpu.memory_space<vmem>>, vector<1x16xf32>,
      %broadcast_in_dim3A_76 = arith.constant 0.000000e+00 : f32
      %broadcast_in_dim3A_77 = vector.broadcast %broadcast_in_dim3A_76 : f32 to vector<16xf32>
      %swap3A_78 = arith.index_cast %scan3A_70 : i32 to index
      %swap3A_79 = arith.constant 16 : index
      %swap3A_80 = tpu.vector_load %arg9[%swap3A_78, %swap3A_79] {strides = array<i32>} : memref<128x80xf32, #tpu.memory_space<vmem>>, vector<1x16xf32>,
      %swap3A_81 = vector.shape_cast %swap3A_80 : vector<1x16xf32> to vector<16xf32>
      %swap3A_82 = vector.shape_cast %broadcast_in_dim3A_77 : vector<16xf32> to vector<1x16xf32>
      tpu.vector_store %arg9[%swap3A_78, %swap3A_79], %swap3A_82 {strides = array<i32>} : memref<128x80xf32, #tpu.memory_space<vmem>>, vector<1x16xf32>,
      %broadcast_in_dim3A_83 = arith.constant 0.000000e+00 : f32
      %broadcast_in_dim3A_84 = vector.broadcast %broadcast_in_dim3A_83 : f32 to vector<16xf32>
      %swap3A_85 = arith.index_cast %scan3A_70 : i32 to index
      %swap3A_86 = arith.constant 32 : index
      %swap3A_87 = tpu.vector_load %arg9[%swap3A_85, %swap3A_86] {strides = array<i32>} : memref<128x80xf32, #tpu.memory_space<vmem>>, vector<1x16xf32>,
      %swap3A_88 = vector.shape_cast %swap3A_87 : vector<1x16xf32> to vector<16xf32>
      %swap3A_89 = vector.shape_cast %broadcast_in_dim3A_84 : vector<16xf32> to vector<1x16xf32>
      tpu.vector_store %arg9[%swap3A_85, %swap3A_86], %swap3A_89 {strides = array<i32>} : memref<128x80xf32, #tpu.memory_space<vmem>>, vector<1x16xf32>,
      %broadcast_in_dim3A_90 = arith.constant 0.000000e+00 : f32
      %broadcast_in_dim3A_91 = vector.broadcast %broadcast_in_dim3A_90 : f32 to vector<16xf32>
      %swap3A_92 = arith.index_cast %scan3A_70 : i32 to index
      %swap3A_93 = arith.constant 48 : index
      %swap3A_94 = tpu.vector_load %arg9[%swap3A_92, %swap3A_93] {strides = array<i32>} : memref<128x80xf32, #tpu.memory_space<vmem>>, vector<1x16xf32>,
      %swap3A_95 = vector.shape_cast %swap3A_94 : vector<1x16xf32> to vector<16xf32>
      %swap3A_96 = vector.shape_cast %broadcast_in_dim3A_91 : vector<16xf32> to vector<1x16xf32>
      tpu.vector_store %arg9[%swap3A_92, %swap3A_93], %swap3A_96 {strides = array<i32>} : memref<128x80xf32, #tpu.memory_space<vmem>>, vector<1x16xf32>,
      %broadcast_in_dim3A_97 = arith.constant 0.000000e+00 : f32
      %broadcast_in_dim3A_98 = vector.broadcast %broadcast_in_dim3A_97 : f32 to vector<16xf32>
      %swap3A_99 = arith.index_cast %scan3A_70 : i32 to index
      %swap3A_100 = arith.constant 64 : index
      %swap3A_101 = tpu.vector_load %arg9[%swap3A_99, %swap3A_100] {strides = array<i32>} : memref<128x80xf32, #tpu.memory_space<vmem>>, vector<1x16xf32>,
      %swap3A_102 = vector.shape_cast %swap3A_101 : vector<1x16xf32> to vector<16xf32>
      %swap3A_103 = vector.shape_cast %broadcast_in_dim3A_98 : vector<16xf32> to vector<1x16xf32>
      tpu.vector_store %arg9[%swap3A_99, %swap3A_100], %swap3A_103 {strides = array<i32>} : memref<128x80xf32, #tpu.memory_space<vmem>>, vector<1x16xf32>,
    }
    %scan3A_5 = arith.constant 128 : i32
    %mul3A_6 = arith.constant 1024 : i32
    %mul3A_7 = arith.muli %arg1, %mul3A_6 : i32
    %add3A_8 = arith.constant 0 : i32
    %add3A_9 = arith.addi %mul3A_7, %add3A_8 : i32
    "tpu.region"() ({
      %run_scoped3A_70 = tpu.sem_alloc : memref<!tpu.dma_semaphore, #tpu.memory_space<semaphore_mem>>
      %dma_start3A_71 = arith.constant 0 : i32
      %dma_start3A_72 = tpu.memref_slice %arg10[%add3A_9, %dma_start3A_71] : memref<16384x80xf32, #tpu.memory_space<vmem_shared>> -> memref<128x80xf32, #tpu.memory_space<vmem_shared>>
      %dma_start3A_73 = arith.constant 0 : i32
      %dma_start3A_74 = tpu.memref_slice %arg10[%add3A_9, %dma_start3A_73] : memref<16384x80xf32, #tpu.memory_space<vmem_shared>> -> memref<128x80xf32, #tpu.memory_space<vmem_shared>>
      tpu.enqueue_dma source(%arg9 : memref<128x80xf32, #tpu.memory_space<vmem>>) target(%dma_start3A_74 : memref<128x80xf32, #tpu.memory_space<vmem_shared>>) target_semaphore(%run_scoped3A_70 : memref<!tpu.dma_semaphore, #tpu.memory_space<semaphore_mem>>)
      %dma_wait3A = arith.constant 0 : i32
      %dma_wait3A_75 = tpu.memref_slice %arg10[%add3A_9, %dma_wait3A] : memref<16384x80xf32, #tpu.memory_space<vmem_shared>> -> memref<128x80xf32, #tpu.memory_space<vmem_shared>>
      %dma_wait3A_76 = arith.constant 0 : i32
      %dma_wait3A_77 = tpu.memref_slice %arg10[%add3A_9, %dma_wait3A_76] : memref<16384x80xf32, #tpu.memory_space<vmem_shared>> -> memref<128x80xf32, #tpu.memory_space<vmem_shared>>
      tpu.wait_dma2 semaphore(%run_scoped3A_70 : memref<!tpu.dma_semaphore, #tpu.memory_space<semaphore_mem>>) src(%arg9 : memref<128x80xf32, #tpu.memory_space<vmem>>) dst(%dma_wait3A_77 : memref<128x80xf32, #tpu.memory_space<vmem_shared>>)
      tpu.yield
    }) : () -> ()
    %mul3A_10 = arith.constant 1024 : i32
    %mul3A_11 = arith.muli %arg1, %mul3A_10 : i32
    %add3A_12 = arith.constant 128 : i32
    %add3A_13 = arith.addi %mul3A_11, %add3A_12 : i32
    "tpu.region"() ({
      %run_scoped3A_70 = tpu.sem_alloc : memref<!tpu.dma_semaphore, #tpu.memory_space<semaphore_mem>>
      %dma_start3A_71 = arith.constant 0 : i32
      %dma_start3A_72 = tpu.memref_slice %arg10[%add3A_13, %dma_start3A_71] : memref<16384x80xf32, #tpu.memory_space<vmem_shared>> -> memref<128x80xf32, #tpu.memory_space<vmem_shared>>
      %dma_start3A_73 = arith.constant 0 : i32
      %dma_start3A_74 = tpu.memref_slice %arg10[%add3A_13, %dma_start3A_73] : memref<16384x80xf32, #tpu.memory_space<vmem_shared>> -> memref<128x80xf32, #tpu.memory_space<vmem_shared>>
      tpu.enqueue_dma source(%arg9 : memref<128x80xf32, #tpu.memory_space<vmem>>) target(%dma_start3A_74 : memref<128x80xf32, #tpu.memory_space<vmem_shared>>) target_semaphore(%run_scoped3A_70 : memref<!tpu.dma_semaphore, #tpu.memory_space<semaphore_mem>>)
      %dma_wait3A = arith.constant 0 : i32
      %dma_wait3A_75 = tpu.memref_slice %arg10[%add3A_13, %dma_wait3A] : memref<16384x80xf32, #tpu.memory_space<vmem_shared>> -> memref<128x80xf32, #tpu.memory_space<vmem_shared>>
      %dma_wait3A_76 = arith.constant 0 : i32
      %dma_wait3A_77 = tpu.memref_slice %arg10[%add3A_13, %dma_wait3A_76] : memref<16384x80xf32, #tpu.memory_space<vmem_shared>> -> memref<128x80xf32, #tpu.memory_space<vmem_shared>>
      tpu.wait_dma2 semaphore(%run_scoped3A_70 : memref<!tpu.dma_semaphore, #tpu.memory_space<semaphore_mem>>) src(%arg9 : memref<128x80xf32, #tpu.memory_space<vmem>>) dst(%dma_wait3A_77 : memref<128x80xf32, #tpu.memory_space<vmem_shared>>)
      tpu.yield
    }) : () -> ()
    %mul3A_14 = arith.constant 1024 : i32
    %mul3A_15 = arith.muli %arg1, %mul3A_14 : i32
    %add3A_16 = arith.constant 256 : i32
    %add3A_17 = arith.addi %mul3A_15, %add3A_16 : i32
    "tpu.region"() ({
      %run_scoped3A_70 = tpu.sem_alloc : memref<!tpu.dma_semaphore, #tpu.memory_space<semaphore_mem>>
      %dma_start3A_71 = arith.constant 0 : i32
      %dma_start3A_72 = tpu.memref_slice %arg10[%add3A_17, %dma_start3A_71] : memref<16384x80xf32, #tpu.memory_space<vmem_shared>> -> memref<128x80xf32, #tpu.memory_space<vmem_shared>>
      %dma_start3A_73 = arith.constant 0 : i32
      %dma_start3A_74 = tpu.memref_slice %arg10[%add3A_17, %dma_start3A_73] : memref<16384x80xf32, #tpu.memory_space<vmem_shared>> -> memref<128x80xf32, #tpu.memory_space<vmem_shared>>
      tpu.enqueue_dma source(%arg9 : memref<128x80xf32, #tpu.memory_space<vmem>>) target(%dma_start3A_74 : memref<128x80xf32, #tpu.memory_space<vmem_shared>>) target_semaphore(%run_scoped3A_70 : memref<!tpu.dma_semaphore, #tpu.memory_space<semaphore_mem>>)
      %dma_wait3A = arith.constant 0 : i32
      %dma_wait3A_75 = tpu.memref_slice %arg10[%add3A_17, %dma_wait3A] : memref<16384x80xf32, #tpu.memory_space<vmem_shared>> -> memref<128x80xf32, #tpu.memory_space<vmem_shared>>
      %dma_wait3A_76 = arith.constant 0 : i32
      %dma_wait3A_77 = tpu.memref_slice %arg10[%add3A_17, %dma_wait3A_76] : memref<16384x80xf32, #tpu.memory_space<vmem_shared>> -> memref<128x80xf32, #tpu.memory_space<vmem_shared>>
      tpu.wait_dma2 semaphore(%run_scoped3A_70 : memref<!tpu.dma_semaphore, #tpu.memory_space<semaphore_mem>>) src(%arg9 : memref<128x80xf32, #tpu.memory_space<vmem>>) dst(%dma_wait3A_77 : memref<128x80xf32, #tpu.memory_space<vmem_shared>>)
      tpu.yield
    }) : () -> ()
    %mul3A_18 = arith.constant 1024 : i32
    %mul3A_19 = arith.muli %arg1, %mul3A_18 : i32
    %add3A_20 = arith.constant 384 : i32
    %add3A_21 = arith.addi %mul3A_19, %add3A_20 : i32
    "tpu.region"() ({
      %run_scoped3A_70 = tpu.sem_alloc : memref<!tpu.dma_semaphore, #tpu.memory_space<semaphore_mem>>
      %dma_start3A_71 = arith.constant 0 : i32
      %dma_start3A_72 = tpu.memref_slice %arg10[%add3A_21, %dma_start3A_71] : memref<16384x80xf32, #tpu.memory_space<vmem_shared>> -> memref<128x80xf32, #tpu.memory_space<vmem_shared>>
      %dma_start3A_73 = arith.constant 0 : i32
      %dma_start3A_74 = tpu.memref_slice %arg10[%add3A_21, %dma_start3A_73] : memref<16384x80xf32, #tpu.memory_space<vmem_shared>> -> memref<128x80xf32, #tpu.memory_space<vmem_shared>>
      tpu.enqueue_dma source(%arg9 : memref<128x80xf32, #tpu.memory_space<vmem>>) target(%dma_start3A_74 : memref<128x80xf32, #tpu.memory_space<vmem_shared>>) target_semaphore(%run_scoped3A_70 : memref<!tpu.dma_semaphore, #tpu.memory_space<semaphore_mem>>)
      %dma_wait3A = arith.constant 0 : i32
      %dma_wait3A_75 = tpu.memref_slice %arg10[%add3A_21, %dma_wait3A] : memref<16384x80xf32, #tpu.memory_space<vmem_shared>> -> memref<128x80xf32, #tpu.memory_space<vmem_shared>>
      %dma_wait3A_76 = arith.constant 0 : i32
      %dma_wait3A_77 = tpu.memref_slice %arg10[%add3A_21, %dma_wait3A_76] : memref<16384x80xf32, #tpu.memory_space<vmem_shared>> -> memref<128x80xf32, #tpu.memory_space<vmem_shared>>
      tpu.wait_dma2 semaphore(%run_scoped3A_70 : memref<!tpu.dma_semaphore, #tpu.memory_space<semaphore_mem>>) src(%arg9 : memref<128x80xf32, #tpu.memory_space<vmem>>) dst(%dma_wait3A_77 : memref<128x80xf32, #tpu.memory_space<vmem_shared>>)
      tpu.yield
    }) : () -> ()
    %mul3A_22 = arith.constant 1024 : i32
    %mul3A_23 = arith.muli %arg1, %mul3A_22 : i32
    %add3A_24 = arith.constant 512 : i32
    %add3A_25 = arith.addi %mul3A_23, %add3A_24 : i32
    "tpu.region"() ({
      %run_scoped3A_70 = tpu.sem_alloc : memref<!tpu.dma_semaphore, #tpu.memory_space<semaphore_mem>>
      %dma_start3A_71 = arith.constant 0 : i32
      %dma_start3A_72 = tpu.memref_slice %arg10[%add3A_25, %dma_start3A_71] : memref<16384x80xf32, #tpu.memory_space<vmem_shared>> -> memref<128x80xf32, #tpu.memory_space<vmem_shared>>
      %dma_start3A_73 = arith.constant 0 : i32
      %dma_start3A_74 = tpu.memref_slice %arg10[%add3A_25, %dma_start3A_73] : memref<16384x80xf32, #tpu.memory_space<vmem_shared>> -> memref<128x80xf32, #tpu.memory_space<vmem_shared>>
      tpu.enqueue_dma source(%arg9 : memref<128x80xf32, #tpu.memory_space<vmem>>) target(%dma_start3A_74 : memref<128x80xf32, #tpu.memory_space<vmem_shared>>) target_semaphore(%run_scoped3A_70 : memref<!tpu.dma_semaphore, #tpu.memory_space<semaphore_mem>>)
      %dma_wait3A = arith.constant 0 : i32
      %dma_wait3A_75 = tpu.memref_slice %arg10[%add3A_25, %dma_wait3A] : memref<16384x80xf32, #tpu.memory_space<vmem_shared>> -> memref<128x80xf32, #tpu.memory_space<vmem_shared>>
      %dma_wait3A_76 = arith.constant 0 : i32
      %dma_wait3A_77 = tpu.memref_slice %arg10[%add3A_25, %dma_wait3A_76] : memref<16384x80xf32, #tpu.memory_space<vmem_shared>> -> memref<128x80xf32, #tpu.memory_space<vmem_shared>>
      tpu.wait_dma2 semaphore(%run_scoped3A_70 : memref<!tpu.dma_semaphore, #tpu.memory_space<semaphore_mem>>) src(%arg9 : memref<128x80xf32, #tpu.memory_space<vmem>>) dst(%dma_wait3A_77 : memref<128x80xf32, #tpu.memory_space<vmem_shared>>)
      tpu.yield
    }) : () -> ()
    %mul3A_26 = arith.constant 1024 : i32
    %mul3A_27 = arith.muli %arg1, %mul3A_26 : i32
    %add3A_28 = arith.constant 640 : i32
    %add3A_29 = arith.addi %mul3A_27, %add3A_28 : i32
    "tpu.region"() ({
      %run_scoped3A_70 = tpu.sem_alloc : memref<!tpu.dma_semaphore, #tpu.memory_space<semaphore_mem>>
      %dma_start3A_71 = arith.constant 0 : i32
      %dma_start3A_72 = tpu.memref_slice %arg10[%add3A_29, %dma_start3A_71] : memref<16384x80xf32, #tpu.memory_space<vmem_shared>> -> memref<128x80xf32, #tpu.memory_space<vmem_shared>>
      %dma_start3A_73 = arith.constant 0 : i32
      %dma_start3A_74 = tpu.memref_slice %arg10[%add3A_29, %dma_start3A_73] : memref<16384x80xf32, #tpu.memory_space<vmem_shared>> -> memref<128x80xf32, #tpu.memory_space<vmem_shared>>
      tpu.enqueue_dma source(%arg9 : memref<128x80xf32, #tpu.memory_space<vmem>>) target(%dma_start3A_74 : memref<128x80xf32, #tpu.memory_space<vmem_shared>>) target_semaphore(%run_scoped3A_70 : memref<!tpu.dma_semaphore, #tpu.memory_space<semaphore_mem>>)
      %dma_wait3A = arith.constant 0 : i32
      %dma_wait3A_75 = tpu.memref_slice %arg10[%add3A_29, %dma_wait3A] : memref<16384x80xf32, #tpu.memory_space<vmem_shared>> -> memref<128x80xf32, #tpu.memory_space<vmem_shared>>
      %dma_wait3A_76 = arith.constant 0 : i32
      %dma_wait3A_77 = tpu.memref_slice %arg10[%add3A_29, %dma_wait3A_76] : memref<16384x80xf32, #tpu.memory_space<vmem_shared>> -> memref<128x80xf32, #tpu.memory_space<vmem_shared>>
      tpu.wait_dma2 semaphore(%run_scoped3A_70 : memref<!tpu.dma_semaphore, #tpu.memory_space<semaphore_mem>>) src(%arg9 : memref<128x80xf32, #tpu.memory_space<vmem>>) dst(%dma_wait3A_77 : memref<128x80xf32, #tpu.memory_space<vmem_shared>>)
      tpu.yield
    }) : () -> ()
    %mul3A_30 = arith.constant 1024 : i32
    %mul3A_31 = arith.muli %arg1, %mul3A_30 : i32
    %add3A_32 = arith.constant 768 : i32
    %add3A_33 = arith.addi %mul3A_31, %add3A_32 : i32
    "tpu.region"() ({
      %run_scoped3A_70 = tpu.sem_alloc : memref<!tpu.dma_semaphore, #tpu.memory_space<semaphore_mem>>
      %dma_start3A_71 = arith.constant 0 : i32
      %dma_start3A_72 = tpu.memref_slice %arg10[%add3A_33, %dma_start3A_71] : memref<16384x80xf32, #tpu.memory_space<vmem_shared>> -> memref<128x80xf32, #tpu.memory_space<vmem_shared>>
      %dma_start3A_73 = arith.constant 0 : i32
      %dma_start3A_74 = tpu.memref_slice %arg10[%add3A_33, %dma_start3A_73] : memref<16384x80xf32, #tpu.memory_space<vmem_shared>> -> memref<128x80xf32, #tpu.memory_space<vmem_shared>>
      tpu.enqueue_dma source(%arg9 : memref<128x80xf32, #tpu.memory_space<vmem>>) target(%dma_start3A_74 : memref<128x80xf32, #tpu.memory_space<vmem_shared>>) target_semaphore(%run_scoped3A_70 : memref<!tpu.dma_semaphore, #tpu.memory_space<semaphore_mem>>)
      %dma_wait3A = arith.constant 0 : i32
      %dma_wait3A_75 = tpu.memref_slice %arg10[%add3A_33, %dma_wait3A] : memref<16384x80xf32, #tpu.memory_space<vmem_shared>> -> memref<128x80xf32, #tpu.memory_space<vmem_shared>>
      %dma_wait3A_76 = arith.constant 0 : i32
      %dma_wait3A_77 = tpu.memref_slice %arg10[%add3A_33, %dma_wait3A_76] : memref<16384x80xf32, #tpu.memory_space<vmem_shared>> -> memref<128x80xf32, #tpu.memory_space<vmem_shared>>
      tpu.wait_dma2 semaphore(%run_scoped3A_70 : memref<!tpu.dma_semaphore, #tpu.memory_space<semaphore_mem>>) src(%arg9 : memref<128x80xf32, #tpu.memory_space<vmem>>) dst(%dma_wait3A_77 : memref<128x80xf32, #tpu.memory_space<vmem_shared>>)
      tpu.yield
    }) : () -> ()
    %mul3A_34 = arith.constant 1024 : i32
    %mul3A_35 = arith.muli %arg1, %mul3A_34 : i32
    %add3A_36 = arith.constant 896 : i32
    %add3A_37 = arith.addi %mul3A_35, %add3A_36 : i32
    "tpu.region"() ({
      %run_scoped3A_70 = tpu.sem_alloc : memref<!tpu.dma_semaphore, #tpu.memory_space<semaphore_mem>>
      %dma_start3A_71 = arith.constant 0 : i32
      %dma_start3A_72 = tpu.memref_slice %arg10[%add3A_37, %dma_start3A_71] : memref<16384x80xf32, #tpu.memory_space<vmem_shared>> -> memref<128x80xf32, #tpu.memory_space<vmem_shared>>
      %dma_start3A_73 = arith.constant 0 : i32
      %dma_start3A_74 = tpu.memref_slice %arg10[%add3A_37, %dma_start3A_73] : memref<16384x80xf32, #tpu.memory_space<vmem_shared>> -> memref<128x80xf32, #tpu.memory_space<vmem_shared>>
      tpu.enqueue_dma source(%arg9 : memref<128x80xf32, #tpu.memory_space<vmem>>) target(%dma_start3A_74 : memref<128x80xf32, #tpu.memory_space<vmem_shared>>) target_semaphore(%run_scoped3A_70 : memref<!tpu.dma_semaphore, #tpu.memory_space<semaphore_mem>>)
      %dma_wait3A = arith.constant 0 : i32
      %dma_wait3A_75 = tpu.memref_slice %arg10[%add3A_37, %dma_wait3A] : memref<16384x80xf32, #tpu.memory_space<vmem_shared>> -> memref<128x80xf32, #tpu.memory_space<vmem_shared>>
      %dma_wait3A_76 = arith.constant 0 : i32
      %dma_wait3A_77 = tpu.memref_slice %arg10[%add3A_37, %dma_wait3A_76] : memref<16384x80xf32, #tpu.memory_space<vmem_shared>> -> memref<128x80xf32, #tpu.memory_space<vmem_shared>>
      tpu.wait_dma2 semaphore(%run_scoped3A_70 : memref<!tpu.dma_semaphore, #tpu.memory_space<semaphore_mem>>) src(%arg9 : memref<128x80xf32, #tpu.memory_space<vmem>>) dst(%dma_wait3A_77 : memref<128x80xf32, #tpu.memory_space<vmem_shared>>)
      tpu.yield
    }) : () -> ()
    %barrier3A = arith.constant 0 : index
    tpu.barrier barrier_id(%barrier3A)
    %mul3A_38 = arith.constant 64 : i32
    %mul3A_39 = arith.muli %add3A, %mul3A_38 : i32
    %run_scoped3A = arith.constant 0 : i32
    "tpu.region"() ({
      %run_scoped3A_70 = tpu.sem_alloc : memref<!tpu.dma_semaphore, #tpu.memory_space<semaphore_mem>>
      %dma_start3A_71 = arith.constant 0 : i32
      %dma_start3A_72 = tpu.memref_slice %arg3[%run_scoped3A, %mul3A_39, %dma_start3A_71] : memref<2x2048x128xi32, #tpu.memory_space<hbm>> -> memref<1x64x128xi32, #tpu.memory_space<hbm>>
      %dma_start3A_73 = tpu.memref_squeeze %dma_start3A_72 : memref<1x64x128xi32, #tpu.memory_space<hbm>> -> memref<64x128xi32, #tpu.memory_space<hbm>>
      %dma_start3A_74 = arith.constant 0 : i32
      %dma_start3A_75 = tpu.memref_slice %arg3[%run_scoped3A, %mul3A_39, %dma_start3A_74] : memref<2x2048x128xi32, #tpu.memory_space<hbm>> -> memref<1x64x128xi32, #tpu.memory_space<hbm>>
      %dma_start3A_76 = tpu.memref_squeeze %dma_start3A_75 : memref<1x64x128xi32, #tpu.memory_space<hbm>> -> memref<64x128xi32, #tpu.memory_space<hbm>>
      tpu.enqueue_dma source(%dma_start3A_76 : memref<64x128xi32, #tpu.memory_space<hbm>>) target(%arg5 : memref<64x128xi32, #tpu.memory_space<vmem>>) target_semaphore(%run_scoped3A_70 : memref<!tpu.dma_semaphore, #tpu.memory_space<semaphore_mem>>)
      %dma_wait3A = arith.constant 0 : i32
      %dma_wait3A_77 = tpu.memref_slice %arg3[%run_scoped3A, %mul3A_39, %dma_wait3A] : memref<2x2048x128xi32, #tpu.memory_space<hbm>> -> memref<1x64x128xi32, #tpu.memory_space<hbm>>
      %dma_wait3A_78 = tpu.memref_squeeze %dma_wait3A_77 : memref<1x64x128xi32, #tpu.memory_space<hbm>> -> memref<64x128xi32, #tpu.memory_space<hbm>>
      %dma_wait3A_79 = arith.constant 0 : i32
      %dma_wait3A_80 = tpu.memref_slice %arg3[%run_scoped3A, %mul3A_39, %dma_wait3A_79] : memref<2x2048x128xi32, #tpu.memory_space<hbm>> -> memref<1x64x128xi32, #tpu.memory_space<hbm>>
      %dma_wait3A_81 = tpu.memref_squeeze %dma_wait3A_80 : memref<1x64x128xi32, #tpu.memory_space<hbm>> -> memref<64x128xi32, #tpu.memory_space<hbm>>
      tpu.wait_dma2 semaphore(%run_scoped3A_70 : memref<!tpu.dma_semaphore, #tpu.memory_space<semaphore_mem>>) src(%dma_wait3A_81 : memref<64x128xi32, #tpu.memory_space<hbm>>) dst(%arg5 : memref<64x128xi32, #tpu.memory_space<vmem>>)
      tpu.yield
    }) : () -> ()
    %mul3A_40 = arith.constant 64 : i32
    %mul3A_41 = arith.muli %add3A, %mul3A_40 : i32
    %run_scoped3A_42 = arith.constant 1 : i32
    "tpu.region"() ({
      %run_scoped3A_70 = tpu.sem_alloc : memref<!tpu.dma_semaphore, #tpu.memory_space<semaphore_mem>>
      %dma_start3A_71 = arith.constant 0 : i32
      %dma_start3A_72 = tpu.memref_slice %arg3[%run_scoped3A_42, %mul3A_41, %dma_start3A_71] : memref<2x2048x128xi32, #tpu.memory_space<hbm>> -> memref<1x64x128xi32, #tpu.memory_space<hbm>>
      %dma_start3A_73 = tpu.memref_squeeze %dma_start3A_72 : memref<1x64x128xi32, #tpu.memory_space<hbm>> -> memref<64x128xi32, #tpu.memory_space<hbm>>
      %dma_start3A_74 = arith.constant 0 : i32
      %dma_start3A_75 = tpu.memref_slice %arg3[%run_scoped3A_42, %mul3A_41, %dma_start3A_74] : memref<2x2048x128xi32, #tpu.memory_space<hbm>> -> memref<1x64x128xi32, #tpu.memory_space<hbm>>
      %dma_start3A_76 = tpu.memref_squeeze %dma_start3A_75 : memref<1x64x128xi32, #tpu.memory_space<hbm>> -> memref<64x128xi32, #tpu.memory_space<hbm>>
      tpu.enqueue_dma source(%dma_start3A_76 : memref<64x128xi32, #tpu.memory_space<hbm>>) target(%arg6 : memref<64x128xi32, #tpu.memory_space<vmem>>) target_semaphore(%run_scoped3A_70 : memref<!tpu.dma_semaphore, #tpu.memory_space<semaphore_mem>>)
      %dma_wait3A = arith.constant 0 : i32
      %dma_wait3A_77 = tpu.memref_slice %arg3[%run_scoped3A_42, %mul3A_41, %dma_wait3A] : memref<2x2048x128xi32, #tpu.memory_space<hbm>> -> memref<1x64x128xi32, #tpu.memory_space<hbm>>
      %dma_wait3A_78 = tpu.memref_squeeze %dma_wait3A_77 : memref<1x64x128xi32, #tpu.memory_space<hbm>> -> memref<64x128xi32, #tpu.memory_space<hbm>>
      %dma_wait3A_79 = arith.constant 0 : i32
      %dma_wait3A_80 = tpu.memref_slice %arg3[%run_scoped3A_42, %mul3A_41, %dma_wait3A_79] : memref<2x2048x128xi32, #tpu.memory_space<hbm>> -> memref<1x64x128xi32, #tpu.memory_space<hbm>>
      %dma_wait3A_81 = tpu.memref_squeeze %dma_wait3A_80 : memref<1x64x128xi32, #tpu.memory_space<hbm>> -> memref<64x128xi32, #tpu.memory_space<hbm>>
      tpu.wait_dma2 semaphore(%run_scoped3A_70 : memref<!tpu.dma_semaphore, #tpu.memory_space<semaphore_mem>>) src(%dma_wait3A_81 : memref<64x128xi32, #tpu.memory_space<hbm>>) dst(%arg6 : memref<64x128xi32, #tpu.memory_space<vmem>>)
      tpu.yield
    }) : () -> ()
    %dma_start3A = arith.constant 0 : i32
    %dma_start3A_43 = arith.constant 0 : i32
    %dma_start3A_44 = tpu.memref_slice %arg5[%dma_start3A, %dma_start3A_43] : memref<64x128xi32, #tpu.memory_space<vmem>> -> memref<1x128xi32, #tpu.memory_space<vmem>>
    %dma_start3A_45 = tpu.memref_squeeze %dma_start3A_44 : memref<1x128xi32, #tpu.memory_space<vmem>> -> memref<128xi32, #tpu.memory_space<vmem>>
    %dma_start3A_46 = arith.constant 0 : i32
    %dma_start3A_47 = arith.constant 0 : i32
    %dma_start3A_48 = tpu.memref_slice %arg2[%dma_start3A_46, %dma_start3A_47] : memref<16384x80xf32, #tpu.memory_space<hbm>> -> memref<16384x80xf32, #tpu.memory_space<hbm>>
    tpu.enqueue_indirect_dma source(%dma_start3A_48 : memref<16384x80xf32, #tpu.memory_space<hbm>>) target(%arg7 : memref<128x80xf32, #tpu.memory_space<vmem>>) offsets(%dma_start3A_45 : memref<128xi32, #tpu.memory_space<vmem>>) semaphore(%arg11 : memref<!tpu.dma_semaphore, #tpu.memory_space<semaphore_mem>>)
    %dma_start3A_49 = arith.constant 1 : i32
    %dma_start3A_50 = arith.constant 0 : i32
    %dma_start3A_51 = tpu.memref_slice %arg5[%dma_start3A_49, %dma_start3A_50] : memref<64x128xi32, #tpu.memory_space<vmem>> -> memref<1x128xi32, #tpu.memory_space<vmem>>
    %dma_start3A_52 = tpu.memref_squeeze %dma_start3A_51 : memref<1x128xi32, #tpu.memory_space<vmem>> -> memref<128xi32, #tpu.memory_space<vmem>>
    %dma_start3A_53 = arith.constant 0 : i32
    %dma_start3A_54 = arith.constant 0 : i32
    %dma_start3A_55 = tpu.memref_slice %arg2[%dma_start3A_53, %dma_start3A_54] : memref<16384x80xf32, #tpu.memory_space<hbm>> -> memref<16384x80xf32, #tpu.memory_space<hbm>>
    tpu.enqueue_indirect_dma source(%dma_start3A_55 : memref<16384x80xf32, #tpu.memory_space<hbm>>) target(%arg8 : memref<128x80xf32, #tpu.memory_space<vmem>>) offsets(%dma_start3A_52 : memref<128xi32, #tpu.memory_space<vmem>>) semaphore(%arg12 : memref<!tpu.dma_semaphore, #tpu.memory_space<semaphore_mem>>)
    %scan3A_56 = arith.constant 0 : i32
    %scan3A_57 = arith.constant 0 : i32
    %scan3A_58 = arith.constant 32 : i32
    %scan3A_59 = arith.addi %scan3A_57, %scan3A_58 : i32
    %scan3A_60 = arith.constant 1 : i32
    scf.for %scan3A_70 = %scan3A_57 to %scan3A_59 step %scan3A_60  : i32 {
      %mul3A_71 = arith.constant 2 : i32
      %mul3A_72 = arith.muli %scan3A_70, %mul3A_71 : i32
      %add3A_73 = arith.constant 1 : i32
      %add3A_74 = arith.addi %mul3A_72, %add3A_73 : i32
      %dma_wait3A = arith.constant 0 : i32
      %dma_wait3A_75 = tpu.memref_slice %arg5[%mul3A_72, %dma_wait3A] : memref<64x128xi32, #tpu.memory_space<vmem>> -> memref<1x128xi32, #tpu.memory_space<vmem>>
      %dma_wait3A_76 = tpu.memref_squeeze %dma_wait3A_75 : memref<1x128xi32, #tpu.memory_space<vmem>> -> memref<128xi32, #tpu.memory_space<vmem>>
      %dma_wait3A_77 = arith.constant 0 : i32
      %dma_wait3A_78 = arith.constant 0 : i32
      %dma_wait3A_79 = tpu.memref_slice %arg2[%dma_wait3A_77, %dma_wait3A_78] : memref<16384x80xf32, #tpu.memory_space<hbm>> -> memref<16384x80xf32, #tpu.memory_space<hbm>>
      tpu.wait_indirect_dma semaphore(%arg11 : memref<!tpu.dma_semaphore, #tpu.memory_space<semaphore_mem>>) src(%dma_wait3A_79 : memref<16384x80xf32, #tpu.memory_space<hbm>>) dst(%arg7 : memref<128x80xf32, #tpu.memory_space<vmem>>)
      "tpu.region"() ({
        %run_scoped3A_97 = tpu.sem_alloc : memref<!tpu.dma_semaphore, #tpu.memory_space<semaphore_mem>>
        %dma_start3A_98 = arith.constant 0 : i32
        %dma_start3A_99 = tpu.memref_slice %arg6[%mul3A_72, %dma_start3A_98] : memref<64x128xi32, #tpu.memory_space<vmem>> -> memref<1x128xi32, #tpu.memory_space<vmem>>
        %dma_start3A_100 = tpu.memref_squeeze %dma_start3A_99 : memref<1x128xi32, #tpu.memory_space<vmem>> -> memref<128xi32, #tpu.memory_space<vmem>>
        %dma_start3A_101 = arith.constant 0 : i32
        %dma_start3A_102 = arith.constant 0 : i32
        %dma_start3A_103 = tpu.memref_slice %arg10[%dma_start3A_101, %dma_start3A_102] : memref<16384x80xf32, #tpu.memory_space<vmem_shared>> -> memref<16384x80xf32, #tpu.memory_space<vmem_shared>>
        tpu.enqueue_indirect_dma source(%arg7 : memref<128x80xf32, #tpu.memory_space<vmem>>) target(%dma_start3A_103 : memref<16384x80xf32, #tpu.memory_space<vmem_shared>>) offsets(%dma_start3A_100 : memref<128xi32, #tpu.memory_space<vmem>>) semaphore(%run_scoped3A_97 : memref<!tpu.dma_semaphore, #tpu.memory_space<semaphore_mem>>) {add = true}
        %dma_wait3A_104 = arith.constant 0 : i32
        %dma_wait3A_105 = tpu.memref_slice %arg6[%mul3A_72, %dma_wait3A_104] : memref<64x128xi32, #tpu.memory_space<vmem>> -> memref<1x128xi32, #tpu.memory_space<vmem>>
        %dma_wait3A_106 = tpu.memref_squeeze %dma_wait3A_105 : memref<1x128xi32, #tpu.memory_space<vmem>> -> memref<128xi32, #tpu.memory_space<vmem>>
        %dma_wait3A_107 = arith.constant 0 : i32
        %dma_wait3A_108 = arith.constant 0 : i32
        %dma_wait3A_109 = tpu.memref_slice %arg10[%dma_wait3A_107, %dma_wait3A_108] : memref<16384x80xf32, #tpu.memory_space<vmem_shared>> -> memref<16384x80xf32, #tpu.memory_space<vmem_shared>>
        tpu.wait_indirect_dma semaphore(%run_scoped3A_97 : memref<!tpu.dma_semaphore, #tpu.memory_space<semaphore_mem>>) src(%arg7 : memref<128x80xf32, #tpu.memory_space<vmem>>) dst(%dma_wait3A_109 : memref<16384x80xf32, #tpu.memory_space<vmem_shared>>)
        tpu.yield
      }) : () -> ()
      %add3A_80 = arith.constant 2 : i32
      %add3A_81 = arith.addi %mul3A_72, %add3A_80 : i32
      %lt3A = arith.constant 64 : i32
      %lt3A_82 = arith.cmpi slt, %add3A_81, %lt3A : i32
      %convert_element_type3A = arith.extui %lt3A_82 : i1 to i32
      %cond3A = arith.constant 0 : i32
      %cond3A_83 = arith.cmpi ne, %convert_element_type3A, %cond3A : i32
      scf.if %cond3A_83 {
        %add3A_97 = arith.constant 2 : i32
        %add3A_98 = arith.addi %mul3A_72, %add3A_97 : i32
        %dma_start3A_99 = arith.constant 0 : i32
        %dma_start3A_100 = tpu.memref_slice %arg5[%add3A_98, %dma_start3A_99] : memref<64x128xi32, #tpu.memory_space<vmem>> -> memref<1x128xi32, #tpu.memory_space<vmem>>
        %dma_start3A_101 = tpu.memref_squeeze %dma_start3A_100 : memref<1x128xi32, #tpu.memory_space<vmem>> -> memref<128xi32, #tpu.memory_space<vmem>>
        %dma_start3A_102 = arith.constant 0 : i32
        %dma_start3A_103 = arith.constant 0 : i32
        %dma_start3A_104 = tpu.memref_slice %arg2[%dma_start3A_102, %dma_start3A_103] : memref<16384x80xf32, #tpu.memory_space<hbm>> -> memref<16384x80xf32, #tpu.memory_space<hbm>>
        tpu.enqueue_indirect_dma source(%dma_start3A_104 : memref<16384x80xf32, #tpu.memory_space<hbm>>) target(%arg7 : memref<128x80xf32, #tpu.memory_space<vmem>>) offsets(%dma_start3A_101 : memref<128xi32, #tpu.memory_space<vmem>>) semaphore(%arg11 : memref<!tpu.dma_semaphore, #tpu.memory_space<semaphore_mem>>)
      } else {
      }
      %dma_wait3A_84 = arith.constant 0 : i32
      %dma_wait3A_85 = tpu.memref_slice %arg5[%add3A_74, %dma_wait3A_84] : memref<64x128xi32, #tpu.memory_space<vmem>> -> memref<1x128xi32, #tpu.memory_space<vmem>>
      %dma_wait3A_86 = tpu.memref_squeeze %dma_wait3A_85 : memref<1x128xi32, #tpu.memory_space<vmem>> -> memref<128xi32, #tpu.memory_space<vmem>>
      %dma_wait3A_87 = arith.constant 0 : i32
      %dma_wait3A_88 = arith.constant 0 : i32
      %dma_wait3A_89 = tpu.memref_slice %arg2[%dma_wait3A_87, %dma_wait3A_88] : memref<16384x80xf32, #tpu.memory_space<hbm>> -> memref<16384x80xf32, #tpu.memory_space<hbm>>
      tpu.wait_indirect_dma semaphore(%arg12 : memref<!tpu.dma_semaphore, #tpu.memory_space<semaphore_mem>>) src(%dma_wait3A_89 : memref<16384x80xf32, #tpu.memory_space<hbm>>) dst(%arg8 : memref<128x80xf32, #tpu.memory_space<vmem>>)
      "tpu.region"() ({
        %run_scoped3A_97 = tpu.sem_alloc : memref<!tpu.dma_semaphore, #tpu.memory_space<semaphore_mem>>
        %dma_start3A_98 = arith.constant 0 : i32
        %dma_start3A_99 = tpu.memref_slice %arg6[%add3A_74, %dma_start3A_98] : memref<64x128xi32, #tpu.memory_space<vmem>> -> memref<1x128xi32, #tpu.memory_space<vmem>>
        %dma_start3A_100 = tpu.memref_squeeze %dma_start3A_99 : memref<1x128xi32, #tpu.memory_space<vmem>> -> memref<128xi32, #tpu.memory_space<vmem>>
        %dma_start3A_101 = arith.constant 0 : i32
        %dma_start3A_102 = arith.constant 0 : i32
        %dma_start3A_103 = tpu.memref_slice %arg10[%dma_start3A_101, %dma_start3A_102] : memref<16384x80xf32, #tpu.memory_space<vmem_shared>> -> memref<16384x80xf32, #tpu.memory_space<vmem_shared>>
        tpu.enqueue_indirect_dma source(%arg8 : memref<128x80xf32, #tpu.memory_space<vmem>>) target(%dma_start3A_103 : memref<16384x80xf32, #tpu.memory_space<vmem_shared>>) offsets(%dma_start3A_100 : memref<128xi32, #tpu.memory_space<vmem>>) semaphore(%run_scoped3A_97 : memref<!tpu.dma_semaphore, #tpu.memory_space<semaphore_mem>>) {add = true}
        %dma_wait3A_104 = arith.constant 0 : i32
        %dma_wait3A_105 = tpu.memref_slice %arg6[%add3A_74, %dma_wait3A_104] : memref<64x128xi32, #tpu.memory_space<vmem>> -> memref<1x128xi32, #tpu.memory_space<vmem>>
        %dma_wait3A_106 = tpu.memref_squeeze %dma_wait3A_105 : memref<1x128xi32, #tpu.memory_space<vmem>> -> memref<128xi32, #tpu.memory_space<vmem>>
        %dma_wait3A_107 = arith.constant 0 : i32
        %dma_wait3A_108 = arith.constant 0 : i32
        %dma_wait3A_109 = tpu.memref_slice %arg10[%dma_wait3A_107, %dma_wait3A_108] : memref<16384x80xf32, #tpu.memory_space<vmem_shared>> -> memref<16384x80xf32, #tpu.memory_space<vmem_shared>>
        tpu.wait_indirect_dma semaphore(%run_scoped3A_97 : memref<!tpu.dma_semaphore, #tpu.memory_space<semaphore_mem>>) src(%arg8 : memref<128x80xf32, #tpu.memory_space<vmem>>) dst(%dma_wait3A_109 : memref<16384x80xf32, #tpu.memory_space<vmem_shared>>)
        tpu.yield
      }) : () -> ()
      %add3A_90 = arith.constant 2 : i32
      %add3A_91 = arith.addi %add3A_74, %add3A_90 : i32
      %lt3A_92 = arith.constant 64 : i32
      %lt3A_93 = arith.cmpi slt, %add3A_91, %lt3A_92 : i32
      %convert_element_type3A_94 = arith.extui %lt3A_93 : i1 to i32
      %cond3A_95 = arith.constant 0 : i32
      %cond3A_96 = arith.cmpi ne, %convert_element_type3A_94, %cond3A_95 : i32
      scf.if %cond3A_96 {
        %add3A_97 = arith.constant 2 : i32
        %add3A_98 = arith.addi %add3A_74, %add3A_97 : i32
        %dma_start3A_99 = arith.constant 0 : i32
        %dma_start3A_100 = tpu.memref_slice %arg5[%add3A_98, %dma_start3A_99] : memref<64x128xi32, #tpu.memory_space<vmem>> -> memref<1x128xi32, #tpu.memory_space<vmem>>
        %dma_start3A_101 = tpu.memref_squeeze %dma_start3A_100 : memref<1x128xi32, #tpu.memory_space<vmem>> -> memref<128xi32, #tpu.memory_space<vmem>>
        %dma_start3A_102 = arith.constant 0 : i32
        %dma_start3A_103 = arith.constant 0 : i32
        %dma_start3A_104 = tpu.memref_slice %arg2[%dma_start3A_102, %dma_start3A_103] : memref<16384x80xf32, #tpu.memory_space<hbm>> -> memref<16384x80xf32, #tpu.memory_space<hbm>>
        tpu.enqueue_indirect_dma source(%dma_start3A_104 : memref<16384x80xf32, #tpu.memory_space<hbm>>) target(%arg8 : memref<128x80xf32, #tpu.memory_space<vmem>>) offsets(%dma_start3A_101 : memref<128xi32, #tpu.memory_space<vmem>>) semaphore(%arg12 : memref<!tpu.dma_semaphore, #tpu.memory_space<semaphore_mem>>)
      } else {
      }
    }
    %scan3A_61 = arith.constant 32 : i32
    %barrier3A_62 = arith.constant 0 : index
    tpu.barrier barrier_id(%barrier3A_62)
    %mul3A_63 = arith.constant 1024 : i32
    %mul3A_64 = arith.muli %arg1, %mul3A_63 : i32
    %mul3A_65 = arith.constant 16384 : i32
    %mul3A_66 = arith.muli %arg0, %mul3A_65 : i32
    %mul3A_67 = arith.constant 1024 : i32
    %mul3A_68 = arith.muli %arg1, %mul3A_67 : i32
    %add3A_69 = arith.addi %mul3A_66, %mul3A_68 : i32
    "tpu.region"() ({
      %run_scoped3A_70 = tpu.sem_alloc : memref<!tpu.dma_semaphore, #tpu.memory_space<semaphore_mem>>
      %dma_start3A_71 = arith.constant 0 : i32
      %dma_start3A_72 = tpu.memref_slice %arg4[%add3A_69, %dma_start3A_71] : memref<32768x80xf32, #tpu.memory_space<hbm>> -> memref<1024x80xf32, #tpu.memory_space<hbm>>
      %dma_start3A_73 = arith.constant 0 : i32
      %dma_start3A_74 = tpu.memref_slice %arg10[%mul3A_64, %dma_start3A_73] : memref<16384x80xf32, #tpu.memory_space<vmem_shared>> -> memref<1024x80xf32, #tpu.memory_space<vmem_shared>>
      tpu.enqueue_dma source(%dma_start3A_74 : memref<1024x80xf32, #tpu.memory_space<vmem_shared>>) target(%dma_start3A_72 : memref<1024x80xf32, #tpu.memory_space<hbm>>) target_semaphore(%run_scoped3A_70 : memref<!tpu.dma_semaphore, #tpu.memory_space<semaphore_mem>>)
      %dma_wait3A = arith.constant 0 : i32
      %dma_wait3A_75 = tpu.memref_slice %arg4[%add3A_69, %dma_wait3A] : memref<32768x80xf32, #tpu.memory_space<hbm>> -> memref<1024x80xf32, #tpu.memory_space<hbm>>
      %dma_wait3A_76 = arith.constant 0 : i32
      %dma_wait3A_77 = tpu.memref_slice %arg10[%mul3A_64, %dma_wait3A_76] : memref<16384x80xf32, #tpu.memory_space<vmem_shared>> -> memref<1024x80xf32, #tpu.memory_space<vmem_shared>>
      tpu.wait_dma2 semaphore(%run_scoped3A_70 : memref<!tpu.dma_semaphore, #tpu.memory_space<semaphore_mem>>) src(%dma_wait3A_77 : memref<1024x80xf32, #tpu.memory_space<vmem_shared>>) dst(%dma_wait3A_75 : memref<1024x80xf32, #tpu.memory_space<hbm>>)
      tpu.yield
    }) : () -> ()
    return
  }
}

module attributes {stable_mosaic.version = 14 : i64} {
  func.func @_mine_body(%arg0: i32, %arg1: memref<512x128xf32, #tpu.memory_space<vmem>>, %arg2: memref<128x64xf32, #tpu.memory_space<vmem>>, %arg3: memref<512x64xf32, #tpu.memory_space<vmem>>, %arg4: memref<512x64xf32, #tpu.memory_space<vmem>>, %arg5: memref<512x64xf32, #tpu.memory_space<vmem>>, %arg6: memref<512x80xf32, #tpu.memory_space<vmem>>) attributes {dimension_semantics = [#tpu.dimension_semantics<arbitrary>], iteration_bounds = array<i64: 32>, scalar_prefetch = 0 : i64, scratch_operands = 0 : i64, tpu.core_type = #tpu.core_type<tc>, window_params = [{transform_indices = @transform_0, window_bounds = array<i64: 512, 128>}, {pipeline_mode = #tpu.pipeline_mode<synchronous>, transform_indices = @transform_1, window_bounds = array<i64: 128, 64>}, {transform_indices = @transform_2, window_bounds = array<i64: 512, 64>}, {transform_indices = @transform_3, window_bounds = array<i64: 512, 64>}, {transform_indices = @transform_4, window_bounds = array<i64: 512, 64>}, {transform_indices = @transform_5, window_bounds = array<i64: 512, 80>}]} {
    %get3A = arith.constant 0 : index
    %get3A_0 = arith.constant 0 : index
    %get3A_1 = vector.load %arg1[%get3A, %get3A_0] : memref<512x128xf32, #tpu.memory_space<vmem>>, vector<512x128xf32>
    %dot_general3A = arith.constant dense<0.000000e+00> : vector<512x512xf32>
    %dot_general3A_2 = tpu.matmul %get3A_1, %get3A_1, %dot_general3A {dimension_numbers = #tpu.dot_dimension_numbers<[1], [1], [0], [0], [0, 0, 1, 0], [], []>, transpose_lhs_hint = false} : vector<512x128xf32>, vector<512x128xf32>, vector<512x512xf32> -> vector<512x512xf32>
    %mul3A = arith.mulf %get3A_1, %get3A_1 : vector<512x128xf32>
    %reduce_sum3A = arith.constant dense<0.000000e+00> : vector<512xf32>
    %reduce_sum3A_3 = vector.multi_reduction <add>, %mul3A, %reduce_sum3A [1] : vector<512x128xf32> to vector<512xf32>
    %broadcast_in_dim3A = vector.shape_cast %reduce_sum3A_3 : vector<512xf32> to vector<512x1xf32>
    %broadcast_in_dim3A_4 = vector.shape_cast %reduce_sum3A_3 : vector<512xf32> to vector<1x512xf32>
    %add3A = vector.broadcast %broadcast_in_dim3A : vector<512x1xf32> to vector<512x512xf32>
    %add3A_5 = vector.broadcast %broadcast_in_dim3A_4 : vector<1x512xf32> to vector<512x512xf32>
    %add3A_6 = arith.addf %add3A, %add3A_5 : vector<512x512xf32>
    %mul3A_7 = arith.constant 2.000000e+00 : f32
    %mul3A_8 = vector.broadcast %mul3A_7 : f32 to vector<512x512xf32>
    %mul3A_9 = arith.mulf %mul3A_8, %dot_general3A_2 : vector<512x512xf32>
    %sub3A = arith.subf %add3A_6, %mul3A_9 : vector<512x512xf32>
    %max3A = arith.constant 0.000000e+00 : f32
    %max3A_10 = vector.broadcast %max3A : f32 to vector<512x512xf32>
    %max3A_11 = arith.maximumf %sub3A, %max3A_10 : vector<512x512xf32>
    %sqrt3A = math.sqrt %max3A_11 : vector<512x512xf32>
    %iota3A = tpu.iota {dimensions = array<i32: 1>} : vector<512x512xi32>
    %iota3A_12 = tpu.iota {dimensions = array<i32: 0>} : vector<512x512xi32>
    %eq3A = arith.cmpi eq, %iota3A, %iota3A_12 : vector<512x512xi32>
    %jit3A = arith.constant 0x7F800000 : f32
    %broadcast_in_dim3A_13 = vector.broadcast %jit3A : f32 to vector<512x512xf32>
    %select_n3A = arith.select %eq3A, %broadcast_in_dim3A_13, %sqrt3A : vector<512x512xi1>, vector<512x512xf32>
    %reduce_min3A = arith.constant dense<0x7F800000> : vector<512xf32>
    %reduce_min3A_14 = vector.multi_reduction <minimumf>, %select_n3A, %reduce_min3A [1] : vector<512x512xf32> to vector<512xf32>
    %broadcast_in_dim3A_15 = vector.shape_cast %reduce_min3A_14 : vector<512xf32> to vector<512x1xf32>
    %eq3A_16 = vector.broadcast %broadcast_in_dim3A_15 : vector<512x1xf32> to vector<512x512xf32>
    %eq3A_17 = arith.cmpf oeq, %select_n3A, %eq3A_16 : vector<512x512xf32>
    %jit3A_18 = arith.constant 512 : i32
    %broadcast_in_dim3A_19 = vector.broadcast %jit3A_18 : i32 to vector<512x512xi32>
    %select_n3A_20 = arith.select %eq3A_17, %iota3A, %broadcast_in_dim3A_19 : vector<512x512xi1>, vector<512x512xi32>
    %reduce_min3A_21 = arith.constant dense<2147483647> : vector<512xi32>
    %reduce_min3A_22 = vector.multi_reduction <minsi>, %select_n3A_20, %reduce_min3A_21 [1] : vector<512x512xi32> to vector<512xi32>
    %broadcast_in_dim3A_23 = vector.shape_cast %reduce_min3A_22 : vector<512xi32> to vector<512x1xi32>
    %eq3A_24 = vector.broadcast %broadcast_in_dim3A_23 : vector<512x1xi32> to vector<512x512xi32>
    %eq3A_25 = arith.cmpi eq, %iota3A, %eq3A_24 : vector<512x512xi32>
    %jit3A_26 = arith.constant 0x7F800000 : f32
    %broadcast_in_dim3A_27 = vector.broadcast %jit3A_26 : f32 to vector<512x512xf32>
    %select_n3A_28 = arith.select %eq3A_25, %broadcast_in_dim3A_27, %select_n3A : vector<512x512xi1>, vector<512x512xf32>
    %reduce_min3A_29 = arith.constant dense<0x7F800000> : vector<512xf32>
    %reduce_min3A_30 = vector.multi_reduction <minimumf>, %select_n3A_28, %reduce_min3A_29 [1] : vector<512x512xf32> to vector<512xf32>
    %broadcast_in_dim3A_31 = vector.shape_cast %reduce_min3A_30 : vector<512xf32> to vector<512x1xf32>
    %eq3A_32 = vector.broadcast %broadcast_in_dim3A_31 : vector<512x1xf32> to vector<512x512xf32>
    %eq3A_33 = arith.cmpf oeq, %select_n3A_28, %eq3A_32 : vector<512x512xf32>
    %jit3A_34 = arith.constant 512 : i32
    %broadcast_in_dim3A_35 = vector.broadcast %jit3A_34 : i32 to vector<512x512xi32>
    %select_n3A_36 = arith.select %eq3A_33, %iota3A, %broadcast_in_dim3A_35 : vector<512x512xi1>, vector<512x512xi32>
    %reduce_min3A_37 = arith.constant dense<2147483647> : vector<512xi32>
    %reduce_min3A_38 = vector.multi_reduction <minsi>, %select_n3A_36, %reduce_min3A_37 [1] : vector<512x512xi32> to vector<512xi32>
    %broadcast_in_dim3A_39 = vector.shape_cast %reduce_min3A_38 : vector<512xi32> to vector<512x1xi32>
    %eq3A_40 = vector.broadcast %broadcast_in_dim3A_39 : vector<512x1xi32> to vector<512x512xi32>
    %eq3A_41 = arith.cmpi eq, %iota3A, %eq3A_40 : vector<512x512xi32>
    %jit3A_42 = arith.constant 0x7F800000 : f32
    %broadcast_in_dim3A_43 = vector.broadcast %jit3A_42 : f32 to vector<512x512xf32>
    %select_n3A_44 = arith.select %eq3A_41, %broadcast_in_dim3A_43, %select_n3A_28 : vector<512x512xi1>, vector<512x512xf32>
    %reduce_min3A_45 = arith.constant dense<0x7F800000> : vector<512xf32>
    %reduce_min3A_46 = vector.multi_reduction <minimumf>, %select_n3A_44, %reduce_min3A_45 [1] : vector<512x512xf32> to vector<512xf32>
    %broadcast_in_dim3A_47 = vector.shape_cast %reduce_min3A_46 : vector<512xf32> to vector<512x1xf32>
    %eq3A_48 = vector.broadcast %broadcast_in_dim3A_47 : vector<512x1xf32> to vector<512x512xf32>
    %eq3A_49 = arith.cmpf oeq, %select_n3A_44, %eq3A_48 : vector<512x512xf32>
    %jit3A_50 = arith.constant 512 : i32
    %broadcast_in_dim3A_51 = vector.broadcast %jit3A_50 : i32 to vector<512x512xi32>
    %select_n3A_52 = arith.select %eq3A_49, %iota3A, %broadcast_in_dim3A_51 : vector<512x512xi1>, vector<512x512xi32>
    %reduce_min3A_53 = arith.constant dense<2147483647> : vector<512xi32>
    %reduce_min3A_54 = vector.multi_reduction <minsi>, %select_n3A_52, %reduce_min3A_53 [1] : vector<512x512xi32> to vector<512xi32>
    %broadcast_in_dim3A_55 = vector.shape_cast %reduce_min3A_54 : vector<512xi32> to vector<512x1xi32>
    %eq3A_56 = vector.broadcast %broadcast_in_dim3A_55 : vector<512x1xi32> to vector<512x512xi32>
    %eq3A_57 = arith.cmpi eq, %iota3A, %eq3A_56 : vector<512x512xi32>
    %jit3A_58 = arith.constant 0x7F800000 : f32
    %broadcast_in_dim3A_59 = vector.broadcast %jit3A_58 : f32 to vector<512x512xf32>
    %select_n3A_60 = arith.select %eq3A_57, %broadcast_in_dim3A_59, %select_n3A_44 : vector<512x512xi1>, vector<512x512xf32>
    %reduce_min3A_61 = arith.constant dense<0x7F800000> : vector<512xf32>
    %reduce_min3A_62 = vector.multi_reduction <minimumf>, %select_n3A_60, %reduce_min3A_61 [1] : vector<512x512xf32> to vector<512xf32>
    %broadcast_in_dim3A_63 = vector.shape_cast %reduce_min3A_62 : vector<512xf32> to vector<512x1xf32>
    %eq3A_64 = vector.broadcast %broadcast_in_dim3A_63 : vector<512x1xf32> to vector<512x512xf32>
    %eq3A_65 = arith.cmpf oeq, %select_n3A_60, %eq3A_64 : vector<512x512xf32>
    %jit3A_66 = arith.constant 512 : i32
    %broadcast_in_dim3A_67 = vector.broadcast %jit3A_66 : i32 to vector<512x512xi32>
    %select_n3A_68 = arith.select %eq3A_65, %iota3A, %broadcast_in_dim3A_67 : vector<512x512xi1>, vector<512x512xi32>
    %reduce_min3A_69 = arith.constant dense<2147483647> : vector<512xi32>
    %reduce_min3A_70 = vector.multi_reduction <minsi>, %select_n3A_68, %reduce_min3A_69 [1] : vector<512x512xi32> to vector<512xi32>
    %broadcast_in_dim3A_71 = vector.shape_cast %reduce_min3A_70 : vector<512xi32> to vector<512x1xi32>
    %eq3A_72 = vector.broadcast %broadcast_in_dim3A_71 : vector<512x1xi32> to vector<512x512xi32>
    %eq3A_73 = arith.cmpi eq, %iota3A, %eq3A_72 : vector<512x512xi32>
    %jit3A_74 = arith.constant 0x7F800000 : f32
    %broadcast_in_dim3A_75 = vector.broadcast %jit3A_74 : f32 to vector<512x512xf32>
    %select_n3A_76 = arith.select %eq3A_73, %broadcast_in_dim3A_75, %select_n3A_60 : vector<512x512xi1>, vector<512x512xf32>
    %reduce_min3A_77 = arith.constant dense<0x7F800000> : vector<512xf32>
    %reduce_min3A_78 = vector.multi_reduction <minimumf>, %select_n3A_76, %reduce_min3A_77 [1] : vector<512x512xf32> to vector<512xf32>
    %broadcast_in_dim3A_79 = vector.shape_cast %reduce_min3A_78 : vector<512xf32> to vector<512x1xf32>
    %eq3A_80 = vector.broadcast %broadcast_in_dim3A_79 : vector<512x1xf32> to vector<512x512xf32>
    %eq3A_81 = arith.cmpf oeq, %select_n3A_76, %eq3A_80 : vector<512x512xf32>
    %jit3A_82 = arith.constant 512 : i32
    %broadcast_in_dim3A_83 = vector.broadcast %jit3A_82 : i32 to vector<512x512xi32>
    %select_n3A_84 = arith.select %eq3A_81, %iota3A, %broadcast_in_dim3A_83 : vector<512x512xi1>, vector<512x512xi32>
    %reduce_min3A_85 = arith.constant dense<2147483647> : vector<512xi32>
    %reduce_min3A_86 = vector.multi_reduction <minsi>, %select_n3A_84, %reduce_min3A_85 [1] : vector<512x512xi32> to vector<512xi32>
    %broadcast_in_dim3A_87 = vector.shape_cast %reduce_min3A_86 : vector<512xi32> to vector<512x1xi32>
    %eq3A_88 = vector.broadcast %broadcast_in_dim3A_87 : vector<512x1xi32> to vector<512x512xi32>
    %eq3A_89 = arith.cmpi eq, %iota3A, %eq3A_88 : vector<512x512xi32>
    %reduce_max3A = arith.constant dense<0xFF800000> : vector<512xf32>
    %reduce_max3A_90 = vector.multi_reduction <maximumf>, %sqrt3A, %reduce_max3A [1] : vector<512x512xf32> to vector<512xf32>
    %broadcast_in_dim3A_91 = vector.shape_cast %reduce_max3A_90 : vector<512xf32> to vector<512x1xf32>
    %eq3A_92 = vector.broadcast %broadcast_in_dim3A_91 : vector<512x1xf32> to vector<512x512xf32>
    %eq3A_93 = arith.cmpf oeq, %sqrt3A, %eq3A_92 : vector<512x512xf32>
    %jit3A_94 = arith.constant 512 : i32
    %broadcast_in_dim3A_95 = vector.broadcast %jit3A_94 : i32 to vector<512x512xi32>
    %select_n3A_96 = arith.select %eq3A_93, %iota3A, %broadcast_in_dim3A_95 : vector<512x512xi1>, vector<512x512xi32>
    %reduce_min3A_97 = arith.constant dense<2147483647> : vector<512xi32>
    %reduce_min3A_98 = vector.multi_reduction <minsi>, %select_n3A_96, %reduce_min3A_97 [1] : vector<512x512xi32> to vector<512xi32>
    %broadcast_in_dim3A_99 = vector.shape_cast %reduce_min3A_98 : vector<512xi32> to vector<512x1xi32>
    %eq3A_100 = vector.broadcast %broadcast_in_dim3A_99 : vector<512x1xi32> to vector<512x512xi32>
    %eq3A_101 = arith.cmpi eq, %iota3A, %eq3A_100 : vector<512x512xi32>
    %neg3A = arith.constant 0.000000e+00 : f32
    %neg3A_102 = arith.constant 0x7F800000 : f32
    %neg3A_103 = arith.subf %neg3A, %neg3A_102 : f32
    %broadcast_in_dim3A_104 = vector.broadcast %neg3A_103 : f32 to vector<512x512xf32>
    %select_n3A_105 = arith.select %eq3A_101, %broadcast_in_dim3A_104, %sqrt3A : vector<512x512xi1>, vector<512x512xf32>
    %reduce_max3A_106 = arith.constant dense<0xFF800000> : vector<512xf32>
    %reduce_max3A_107 = vector.multi_reduction <maximumf>, %select_n3A_105, %reduce_max3A_106 [1] : vector<512x512xf32> to vector<512xf32>
    %broadcast_in_dim3A_108 = vector.shape_cast %reduce_max3A_107 : vector<512xf32> to vector<512x1xf32>
    %eq3A_109 = vector.broadcast %broadcast_in_dim3A_108 : vector<512x1xf32> to vector<512x512xf32>
    %eq3A_110 = arith.cmpf oeq, %select_n3A_105, %eq3A_109 : vector<512x512xf32>
    %jit3A_111 = arith.constant 512 : i32
    %broadcast_in_dim3A_112 = vector.broadcast %jit3A_111 : i32 to vector<512x512xi32>
    %select_n3A_113 = arith.select %eq3A_110, %iota3A, %broadcast_in_dim3A_112 : vector<512x512xi1>, vector<512x512xi32>
    %reduce_min3A_114 = arith.constant dense<2147483647> : vector<512xi32>
    %reduce_min3A_115 = vector.multi_reduction <minsi>, %select_n3A_113, %reduce_min3A_114 [1] : vector<512x512xi32> to vector<512xi32>
    %broadcast_in_dim3A_116 = vector.shape_cast %reduce_min3A_115 : vector<512xi32> to vector<512x1xi32>
    %eq3A_117 = vector.broadcast %broadcast_in_dim3A_116 : vector<512x1xi32> to vector<512x512xi32>
    %eq3A_118 = arith.cmpi eq, %iota3A, %eq3A_117 : vector<512x512xi32>
    %neg3A_119 = arith.constant 0.000000e+00 : f32
    %neg3A_120 = arith.constant 0x7F800000 : f32
    %neg3A_121 = arith.subf %neg3A_119, %neg3A_120 : f32
    %broadcast_in_dim3A_122 = vector.broadcast %neg3A_121 : f32 to vector<512x512xf32>
    %select_n3A_123 = arith.select %eq3A_118, %broadcast_in_dim3A_122, %select_n3A_105 : vector<512x512xi1>, vector<512x512xf32>
    %reduce_max3A_124 = arith.constant dense<0xFF800000> : vector<512xf32>
    %reduce_max3A_125 = vector.multi_reduction <maximumf>, %select_n3A_123, %reduce_max3A_124 [1] : vector<512x512xf32> to vector<512xf32>
    %broadcast_in_dim3A_126 = vector.shape_cast %reduce_max3A_125 : vector<512xf32> to vector<512x1xf32>
    %eq3A_127 = vector.broadcast %broadcast_in_dim3A_126 : vector<512x1xf32> to vector<512x512xf32>
    %eq3A_128 = arith.cmpf oeq, %select_n3A_123, %eq3A_127 : vector<512x512xf32>
    %jit3A_129 = arith.constant 512 : i32
    %broadcast_in_dim3A_130 = vector.broadcast %jit3A_129 : i32 to vector<512x512xi32>
    %select_n3A_131 = arith.select %eq3A_128, %iota3A, %broadcast_in_dim3A_130 : vector<512x512xi1>, vector<512x512xi32>
    %reduce_min3A_132 = arith.constant dense<2147483647> : vector<512xi32>
    %reduce_min3A_133 = vector.multi_reduction <minsi>, %select_n3A_131, %reduce_min3A_132 [1] : vector<512x512xi32> to vector<512xi32>
    %broadcast_in_dim3A_134 = vector.shape_cast %reduce_min3A_133 : vector<512xi32> to vector<512x1xi32>
    %eq3A_135 = vector.broadcast %broadcast_in_dim3A_134 : vector<512x1xi32> to vector<512x512xi32>
    %eq3A_136 = arith.cmpi eq, %iota3A, %eq3A_135 : vector<512x512xi32>
    %neg3A_137 = arith.constant 0.000000e+00 : f32
    %neg3A_138 = arith.constant 0x7F800000 : f32
    %neg3A_139 = arith.subf %neg3A_137, %neg3A_138 : f32
    %broadcast_in_dim3A_140 = vector.broadcast %neg3A_139 : f32 to vector<512x512xf32>
    %select_n3A_141 = arith.select %eq3A_136, %broadcast_in_dim3A_140, %select_n3A_123 : vector<512x512xi1>, vector<512x512xf32>
    %reduce_max3A_142 = arith.constant dense<0xFF800000> : vector<512xf32>
    %reduce_max3A_143 = vector.multi_reduction <maximumf>, %select_n3A_141, %reduce_max3A_142 [1] : vector<512x512xf32> to vector<512xf32>
    %broadcast_in_dim3A_144 = vector.shape_cast %reduce_max3A_143 : vector<512xf32> to vector<512x1xf32>
    %eq3A_145 = vector.broadcast %broadcast_in_dim3A_144 : vector<512x1xf32> to vector<512x512xf32>
    %eq3A_146 = arith.cmpf oeq, %select_n3A_141, %eq3A_145 : vector<512x512xf32>
    %jit3A_147 = arith.constant 512 : i32
    %broadcast_in_dim3A_148 = vector.broadcast %jit3A_147 : i32 to vector<512x512xi32>
    %select_n3A_149 = arith.select %eq3A_146, %iota3A, %broadcast_in_dim3A_148 : vector<512x512xi1>, vector<512x512xi32>
    %reduce_min3A_150 = arith.constant dense<2147483647> : vector<512xi32>
    %reduce_min3A_151 = vector.multi_reduction <minsi>, %select_n3A_149, %reduce_min3A_150 [1] : vector<512x512xi32> to vector<512xi32>
    %broadcast_in_dim3A_152 = vector.shape_cast %reduce_min3A_151 : vector<512xi32> to vector<512x1xi32>
    %eq3A_153 = vector.broadcast %broadcast_in_dim3A_152 : vector<512x1xi32> to vector<512x512xi32>
    %eq3A_154 = arith.cmpi eq, %iota3A, %eq3A_153 : vector<512x512xi32>
    %neg3A_155 = arith.constant 0.000000e+00 : f32
    %neg3A_156 = arith.constant 0x7F800000 : f32
    %neg3A_157 = arith.subf %neg3A_155, %neg3A_156 : f32
    %broadcast_in_dim3A_158 = vector.broadcast %neg3A_157 : f32 to vector<512x512xf32>
    %select_n3A_159 = arith.select %eq3A_154, %broadcast_in_dim3A_158, %select_n3A_141 : vector<512x512xi1>, vector<512x512xf32>
    %reduce_max3A_160 = arith.constant dense<0xFF800000> : vector<512xf32>
    %reduce_max3A_161 = vector.multi_reduction <maximumf>, %select_n3A_159, %reduce_max3A_160 [1] : vector<512x512xf32> to vector<512xf32>
    %broadcast_in_dim3A_162 = vector.shape_cast %reduce_max3A_161 : vector<512xf32> to vector<512x1xf32>
    %eq3A_163 = vector.broadcast %broadcast_in_dim3A_162 : vector<512x1xf32> to vector<512x512xf32>
    %eq3A_164 = arith.cmpf oeq, %select_n3A_159, %eq3A_163 : vector<512x512xf32>
    %jit3A_165 = arith.constant 512 : i32
    %broadcast_in_dim3A_166 = vector.broadcast %jit3A_165 : i32 to vector<512x512xi32>
    %select_n3A_167 = arith.select %eq3A_164, %iota3A, %broadcast_in_dim3A_166 : vector<512x512xi1>, vector<512x512xi32>
    %reduce_min3A_168 = arith.constant dense<2147483647> : vector<512xi32>
    %reduce_min3A_169 = vector.multi_reduction <minsi>, %select_n3A_167, %reduce_min3A_168 [1] : vector<512x512xi32> to vector<512xi32>
    %broadcast_in_dim3A_170 = vector.shape_cast %reduce_min3A_169 : vector<512xi32> to vector<512x1xi32>
    %eq3A_171 = vector.broadcast %broadcast_in_dim3A_170 : vector<512x1xi32> to vector<512x512xi32>
    %eq3A_172 = arith.cmpi eq, %iota3A, %eq3A_171 : vector<512x512xi32>
    %get3A_173 = arith.constant 0 : index
    %get3A_174 = arith.constant 0 : index
    %get3A_175 = vector.load %arg2[%get3A_173, %get3A_174] : memref<128x64xf32, #tpu.memory_space<vmem>>, vector<128x64xf32>
    %dot_general3A_176 = arith.constant dense<0.000000e+00> : vector<512x64xf32>
    %dot_general3A_177 = tpu.matmul %get3A_1, %get3A_175, %dot_general3A_176 {dimension_numbers = #tpu.dot_dimension_numbers<[1], [0], [0], [1], [0, 0, 1, 1], [], []>, transpose_lhs_hint = false} : vector<512x128xf32>, vector<128x64xf32>, vector<512x64xf32> -> vector<512x64xf32>
    %convert_element_type3A = arith.truncf %dot_general3A_177 : vector<512x64xf32> to vector<512x64xbf16>
    %convert_element_type3A_178 = arith.extf %convert_element_type3A : vector<512x64xbf16> to vector<512x64xf32>
    %sub3A_179 = arith.subf %dot_general3A_177, %convert_element_type3A_178 : vector<512x64xf32>
    %convert_element_type3A_180 = arith.truncf %sub3A_179 : vector<512x64xf32> to vector<512x64xbf16>
    %convert_element_type3A_181 = arith.extf %convert_element_type3A_180 : vector<512x64xbf16> to vector<512x64xf32>
    %sub3A_182 = arith.subf %sub3A_179, %convert_element_type3A_181 : vector<512x64xf32>
    %convert_element_type3A_183 = arith.extui %eq3A_25 : vector<512x512xi1> to vector<512x512xi32>
    %convert_element_type3A_184 = arith.sitofp %convert_element_type3A_183 : vector<512x512xi32> to vector<512x512xf32>
    %dot_general3A_185 = arith.constant dense<0.000000e+00> : vector<512x64xf32>
    %dot_general3A_186 = tpu.matmul %convert_element_type3A_184, %convert_element_type3A_178, %dot_general3A_185 {dimension_numbers = #tpu.dot_dimension_numbers<[1], [0], [0], [1], [0, 0, 1, 1], [], []>, transpose_lhs_hint = false} : vector<512x512xf32>, vector<512x64xf32>, vector<512x64xf32> -> vector<512x64xf32>
    %dot_general3A_187 = arith.constant dense<0.000000e+00> : vector<512x64xf32>
    %dot_general3A_188 = tpu.matmul %convert_element_type3A_184, %convert_element_type3A_181, %dot_general3A_187 {dimension_numbers = #tpu.dot_dimension_numbers<[1], [0], [0], [1], [0, 0, 1, 1], [], []>, transpose_lhs_hint = false} : vector<512x512xf32>, vector<512x64xf32>, vector<512x64xf32> -> vector<512x64xf32>
    %add3A_189 = arith.addf %dot_general3A_186, %dot_general3A_188 : vector<512x64xf32>
    %dot_general3A_190 = arith.constant dense<0.000000e+00> : vector<512x64xf32>
    %dot_general3A_191 = tpu.matmul %convert_element_type3A_184, %sub3A_182, %dot_general3A_190 {dimension_numbers = #tpu.dot_dimension_numbers<[1], [0], [0], [1], [0, 0, 1, 1], [], []>, transpose_lhs_hint = false} : vector<512x512xf32>, vector<512x64xf32>, vector<512x64xf32> -> vector<512x64xf32>
    %add3A_192 = arith.addf %add3A_189, %dot_general3A_191 : vector<512x64xf32>
    %sub3A_193 = arith.subf %dot_general3A_177, %add3A_192 : vector<512x64xf32>
    %add3A_194 = arith.constant 9.99999997E-7 : f32
    %add3A_195 = vector.broadcast %add3A_194 : f32 to vector<512x64xf32>
    %add3A_196 = arith.addf %sub3A_193, %add3A_195 : vector<512x64xf32>
    %mul3A_197 = arith.mulf %add3A_196, %add3A_196 : vector<512x64xf32>
    %reduce_sum3A_198 = arith.constant dense<0.000000e+00> : vector<512xf32>
    %reduce_sum3A_199 = vector.multi_reduction <add>, %mul3A_197, %reduce_sum3A_198 [1] : vector<512x64xf32> to vector<512xf32>
    %broadcast_in_dim3A_200 = vector.shape_cast %reduce_sum3A_199 : vector<512xf32> to vector<512x1xf32>
    %sqrt3A_201 = math.sqrt %broadcast_in_dim3A_200 : vector<512x1xf32>
    %convert_element_type3A_202 = arith.extui %eq3A_41 : vector<512x512xi1> to vector<512x512xi32>
    %convert_element_type3A_203 = arith.sitofp %convert_element_type3A_202 : vector<512x512xi32> to vector<512x512xf32>
    %dot_general3A_204 = arith.constant dense<0.000000e+00> : vector<512x64xf32>
    %dot_general3A_205 = tpu.matmul %convert_element_type3A_203, %convert_element_type3A_178, %dot_general3A_204 {dimension_numbers = #tpu.dot_dimension_numbers<[1], [0], [0], [1], [0, 0, 1, 1], [], []>, transpose_lhs_hint = false} : vector<512x512xf32>, vector<512x64xf32>, vector<512x64xf32> -> vector<512x64xf32>
    %dot_general3A_206 = arith.constant dense<0.000000e+00> : vector<512x64xf32>
    %dot_general3A_207 = tpu.matmul %convert_element_type3A_203, %convert_element_type3A_181, %dot_general3A_206 {dimension_numbers = #tpu.dot_dimension_numbers<[1], [0], [0], [1], [0, 0, 1, 1], [], []>, transpose_lhs_hint = false} : vector<512x512xf32>, vector<512x64xf32>, vector<512x64xf32> -> vector<512x64xf32>
    %add3A_208 = arith.addf %dot_general3A_205, %dot_general3A_207 : vector<512x64xf32>
    %dot_general3A_209 = arith.constant dense<0.000000e+00> : vector<512x64xf32>
    %dot_general3A_210 = tpu.matmul %convert_element_type3A_203, %sub3A_182, %dot_general3A_209 {dimension_numbers = #tpu.dot_dimension_numbers<[1], [0], [0], [1], [0, 0, 1, 1], [], []>, transpose_lhs_hint = false} : vector<512x512xf32>, vector<512x64xf32>, vector<512x64xf32> -> vector<512x64xf32>
    %add3A_211 = arith.addf %add3A_208, %dot_general3A_210 : vector<512x64xf32>
    %sub3A_212 = arith.subf %dot_general3A_177, %add3A_211 : vector<512x64xf32>
    %add3A_213 = arith.constant 9.99999997E-7 : f32
    %add3A_214 = vector.broadcast %add3A_213 : f32 to vector<512x64xf32>
    %add3A_215 = arith.addf %sub3A_212, %add3A_214 : vector<512x64xf32>
    %mul3A_216 = arith.mulf %add3A_215, %add3A_215 : vector<512x64xf32>
    %reduce_sum3A_217 = arith.constant dense<0.000000e+00> : vector<512xf32>
    %reduce_sum3A_218 = vector.multi_reduction <add>, %mul3A_216, %reduce_sum3A_217 [1] : vector<512x64xf32> to vector<512xf32>
    %broadcast_in_dim3A_219 = vector.shape_cast %reduce_sum3A_218 : vector<512xf32> to vector<512x1xf32>
    %sqrt3A_220 = math.sqrt %broadcast_in_dim3A_219 : vector<512x1xf32>
    %gt3A = arith.cmpf ogt, %sqrt3A_220, %sqrt3A_201 : vector<512x1xf32>
    %select_n3A_221 = arith.select %gt3A, %sqrt3A_220, %sqrt3A_201 : vector<512x1xi1>, vector<512x1xf32>
    %broadcast_in_dim3A_222 = vector.shape_cast %gt3A : vector<512x1xi1> to vector<512x1xi1>
    %broadcast_in_dim3A_223 = vector.broadcast %broadcast_in_dim3A_222 : vector<512x1xi1> to vector<512x64xi1>
    %select_n3A_224 = arith.select %broadcast_in_dim3A_223, %add3A_211, %add3A_192 : vector<512x64xi1>, vector<512x64xf32>
    %convert_element_type3A_225 = arith.extui %eq3A_57 : vector<512x512xi1> to vector<512x512xi32>
    %convert_element_type3A_226 = arith.sitofp %convert_element_type3A_225 : vector<512x512xi32> to vector<512x512xf32>
    %dot_general3A_227 = arith.constant dense<0.000000e+00> : vector<512x64xf32>
    %dot_general3A_228 = tpu.matmul %convert_element_type3A_226, %convert_element_type3A_178, %dot_general3A_227 {dimension_numbers = #tpu.dot_dimension_numbers<[1], [0], [0], [1], [0, 0, 1, 1], [], []>, transpose_lhs_hint = false} : vector<512x512xf32>, vector<512x64xf32>, vector<512x64xf32> -> vector<512x64xf32>
    %dot_general3A_229 = arith.constant dense<0.000000e+00> : vector<512x64xf32>
    %dot_general3A_230 = tpu.matmul %convert_element_type3A_226, %convert_element_type3A_181, %dot_general3A_229 {dimension_numbers = #tpu.dot_dimension_numbers<[1], [0], [0], [1], [0, 0, 1, 1], [], []>, transpose_lhs_hint = false} : vector<512x512xf32>, vector<512x64xf32>, vector<512x64xf32> -> vector<512x64xf32>
    %add3A_231 = arith.addf %dot_general3A_228, %dot_general3A_230 : vector<512x64xf32>
    %dot_general3A_232 = arith.constant dense<0.000000e+00> : vector<512x64xf32>
    %dot_general3A_233 = tpu.matmul %convert_element_type3A_226, %sub3A_182, %dot_general3A_232 {dimension_numbers = #tpu.dot_dimension_numbers<[1], [0], [0], [1], [0, 0, 1, 1], [], []>, transpose_lhs_hint = false} : vector<512x512xf32>, vector<512x64xf32>, vector<512x64xf32> -> vector<512x64xf32>
    %add3A_234 = arith.addf %add3A_231, %dot_general3A_233 : vector<512x64xf32>
    %sub3A_235 = arith.subf %dot_general3A_177, %add3A_234 : vector<512x64xf32>
    %add3A_236 = arith.constant 9.99999997E-7 : f32
    %add3A_237 = vector.broadcast %add3A_236 : f32 to vector<512x64xf32>
    %add3A_238 = arith.addf %sub3A_235, %add3A_237 : vector<512x64xf32>
    %mul3A_239 = arith.mulf %add3A_238, %add3A_238 : vector<512x64xf32>
    %reduce_sum3A_240 = arith.constant dense<0.000000e+00> : vector<512xf32>
    %reduce_sum3A_241 = vector.multi_reduction <add>, %mul3A_239, %reduce_sum3A_240 [1] : vector<512x64xf32> to vector<512xf32>
    %broadcast_in_dim3A_242 = vector.shape_cast %reduce_sum3A_241 : vector<512xf32> to vector<512x1xf32>
    %sqrt3A_243 = math.sqrt %broadcast_in_dim3A_242 : vector<512x1xf32>
    %gt3A_244 = arith.cmpf ogt, %sqrt3A_243, %select_n3A_221 : vector<512x1xf32>
    %select_n3A_245 = arith.select %gt3A_244, %sqrt3A_243, %select_n3A_221 : vector<512x1xi1>, vector<512x1xf32>
    %broadcast_in_dim3A_246 = vector.shape_cast %gt3A_244 : vector<512x1xi1> to vector<512x1xi1>
    %broadcast_in_dim3A_247 = vector.broadcast %broadcast_in_dim3A_246 : vector<512x1xi1> to vector<512x64xi1>
    %select_n3A_248 = arith.select %broadcast_in_dim3A_247, %add3A_234, %select_n3A_224 : vector<512x64xi1>, vector<512x64xf32>
    %convert_element_type3A_249 = arith.extui %eq3A_73 : vector<512x512xi1> to vector<512x512xi32>
    %convert_element_type3A_250 = arith.sitofp %convert_element_type3A_249 : vector<512x512xi32> to vector<512x512xf32>
    %dot_general3A_251 = arith.constant dense<0.000000e+00> : vector<512x64xf32>
    %dot_general3A_252 = tpu.matmul %convert_element_type3A_250, %convert_element_type3A_178, %dot_general3A_251 {dimension_numbers = #tpu.dot_dimension_numbers<[1], [0], [0], [1], [0, 0, 1, 1], [], []>, transpose_lhs_hint = false} : vector<512x512xf32>, vector<512x64xf32>, vector<512x64xf32> -> vector<512x64xf32>
    %dot_general3A_253 = arith.constant dense<0.000000e+00> : vector<512x64xf32>
    %dot_general3A_254 = tpu.matmul %convert_element_type3A_250, %convert_element_type3A_181, %dot_general3A_253 {dimension_numbers = #tpu.dot_dimension_numbers<[1], [0], [0], [1], [0, 0, 1, 1], [], []>, transpose_lhs_hint = false} : vector<512x512xf32>, vector<512x64xf32>, vector<512x64xf32> -> vector<512x64xf32>
    %add3A_255 = arith.addf %dot_general3A_252, %dot_general3A_254 : vector<512x64xf32>
    %dot_general3A_256 = arith.constant dense<0.000000e+00> : vector<512x64xf32>
    %dot_general3A_257 = tpu.matmul %convert_element_type3A_250, %sub3A_182, %dot_general3A_256 {dimension_numbers = #tpu.dot_dimension_numbers<[1], [0], [0], [1], [0, 0, 1, 1], [], []>, transpose_lhs_hint = false} : vector<512x512xf32>, vector<512x64xf32>, vector<512x64xf32> -> vector<512x64xf32>
    %add3A_258 = arith.addf %add3A_255, %dot_general3A_257 : vector<512x64xf32>
    %sub3A_259 = arith.subf %dot_general3A_177, %add3A_258 : vector<512x64xf32>
    %add3A_260 = arith.constant 9.99999997E-7 : f32
    %add3A_261 = vector.broadcast %add3A_260 : f32 to vector<512x64xf32>
    %add3A_262 = arith.addf %sub3A_259, %add3A_261 : vector<512x64xf32>
    %mul3A_263 = arith.mulf %add3A_262, %add3A_262 : vector<512x64xf32>
    %reduce_sum3A_264 = arith.constant dense<0.000000e+00> : vector<512xf32>
    %reduce_sum3A_265 = vector.multi_reduction <add>, %mul3A_263, %reduce_sum3A_264 [1] : vector<512x64xf32> to vector<512xf32>
    %broadcast_in_dim3A_266 = vector.shape_cast %reduce_sum3A_265 : vector<512xf32> to vector<512x1xf32>
    %sqrt3A_267 = math.sqrt %broadcast_in_dim3A_266 : vector<512x1xf32>
    %gt3A_268 = arith.cmpf ogt, %sqrt3A_267, %select_n3A_245 : vector<512x1xf32>
    %select_n3A_269 = arith.select %gt3A_268, %sqrt3A_267, %select_n3A_245 : vector<512x1xi1>, vector<512x1xf32>
    %broadcast_in_dim3A_270 = vector.shape_cast %gt3A_268 : vector<512x1xi1> to vector<512x1xi1>
    %broadcast_in_dim3A_271 = vector.broadcast %broadcast_in_dim3A_270 : vector<512x1xi1> to vector<512x64xi1>
    %select_n3A_272 = arith.select %broadcast_in_dim3A_271, %add3A_258, %select_n3A_248 : vector<512x64xi1>, vector<512x64xf32>
    %convert_element_type3A_273 = arith.extui %eq3A_89 : vector<512x512xi1> to vector<512x512xi32>
    %convert_element_type3A_274 = arith.sitofp %convert_element_type3A_273 : vector<512x512xi32> to vector<512x512xf32>
    %dot_general3A_275 = arith.constant dense<0.000000e+00> : vector<512x64xf32>
    %dot_general3A_276 = tpu.matmul %convert_element_type3A_274, %convert_element_type3A_178, %dot_general3A_275 {dimension_numbers = #tpu.dot_dimension_numbers<[1], [0], [0], [1], [0, 0, 1, 1], [], []>, transpose_lhs_hint = false} : vector<512x512xf32>, vector<512x64xf32>, vector<512x64xf32> -> vector<512x64xf32>
    %dot_general3A_277 = arith.constant dense<0.000000e+00> : vector<512x64xf32>
    %dot_general3A_278 = tpu.matmul %convert_element_type3A_274, %convert_element_type3A_181, %dot_general3A_277 {dimension_numbers = #tpu.dot_dimension_numbers<[1], [0], [0], [1], [0, 0, 1, 1], [], []>, transpose_lhs_hint = false} : vector<512x512xf32>, vector<512x64xf32>, vector<512x64xf32> -> vector<512x64xf32>
    %add3A_279 = arith.addf %dot_general3A_276, %dot_general3A_278 : vector<512x64xf32>
    %dot_general3A_280 = arith.constant dense<0.000000e+00> : vector<512x64xf32>
    %dot_general3A_281 = tpu.matmul %convert_element_type3A_274, %sub3A_182, %dot_general3A_280 {dimension_numbers = #tpu.dot_dimension_numbers<[1], [0], [0], [1], [0, 0, 1, 1], [], []>, transpose_lhs_hint = false} : vector<512x512xf32>, vector<512x64xf32>, vector<512x64xf32> -> vector<512x64xf32>
    %add3A_282 = arith.addf %add3A_279, %dot_general3A_281 : vector<512x64xf32>
    %sub3A_283 = arith.subf %dot_general3A_177, %add3A_282 : vector<512x64xf32>
    %add3A_284 = arith.constant 9.99999997E-7 : f32
    %add3A_285 = vector.broadcast %add3A_284 : f32 to vector<512x64xf32>
    %add3A_286 = arith.addf %sub3A_283, %add3A_285 : vector<512x64xf32>
    %mul3A_287 = arith.mulf %add3A_286, %add3A_286 : vector<512x64xf32>
    %reduce_sum3A_288 = arith.constant dense<0.000000e+00> : vector<512xf32>
    %reduce_sum3A_289 = vector.multi_reduction <add>, %mul3A_287, %reduce_sum3A_288 [1] : vector<512x64xf32> to vector<512xf32>
    %broadcast_in_dim3A_290 = vector.shape_cast %reduce_sum3A_289 : vector<512xf32> to vector<512x1xf32>
    %sqrt3A_291 = math.sqrt %broadcast_in_dim3A_290 : vector<512x1xf32>
    %gt3A_292 = arith.cmpf ogt, %sqrt3A_291, %select_n3A_269 : vector<512x1xf32>
    %broadcast_in_dim3A_293 = vector.shape_cast %gt3A_292 : vector<512x1xi1> to vector<512x1xi1>
    %broadcast_in_dim3A_294 = vector.broadcast %broadcast_in_dim3A_293 : vector<512x1xi1> to vector<512x64xi1>
    %select_n3A_295 = arith.select %broadcast_in_dim3A_294, %add3A_282, %select_n3A_272 : vector<512x64xi1>, vector<512x64xf32>
    %swap3A = arith.constant 0 : index
    %swap3A_296 = arith.constant 0 : index
    %swap3A_297 = vector.load %arg4[%swap3A, %swap3A_296] : memref<512x64xf32, #tpu.memory_space<vmem>>, vector<512x64xf32>
    tpu.vector_store %arg4[%swap3A, %swap3A_296], %select_n3A_295 {strides = array<i32>} : memref<512x64xf32, #tpu.memory_space<vmem>>, vector<512x64xf32>,
    %convert_element_type3A_298 = arith.extui %eq3A_172 : vector<512x512xi1> to vector<512x512xi32>
    %convert_element_type3A_299 = arith.sitofp %convert_element_type3A_298 : vector<512x512xi32> to vector<512x512xf32>
    %dot_general3A_300 = arith.constant dense<0.000000e+00> : vector<512x64xf32>
    %dot_general3A_301 = tpu.matmul %convert_element_type3A_299, %convert_element_type3A_178, %dot_general3A_300 {dimension_numbers = #tpu.dot_dimension_numbers<[1], [0], [0], [1], [0, 0, 1, 1], [], []>, transpose_lhs_hint = false} : vector<512x512xf32>, vector<512x64xf32>, vector<512x64xf32> -> vector<512x64xf32>
    %dot_general3A_302 = arith.constant dense<0.000000e+00> : vector<512x64xf32>
    %dot_general3A_303 = tpu.matmul %convert_element_type3A_299, %convert_element_type3A_181, %dot_general3A_302 {dimension_numbers = #tpu.dot_dimension_numbers<[1], [0], [0], [1], [0, 0, 1, 1], [], []>, transpose_lhs_hint = false} : vector<512x512xf32>, vector<512x64xf32>, vector<512x64xf32> -> vector<512x64xf32>
    %add3A_304 = arith.addf %dot_general3A_301, %dot_general3A_303 : vector<512x64xf32>
    %dot_general3A_305 = arith.constant dense<0.000000e+00> : vector<512x64xf32>
    %dot_general3A_306 = tpu.matmul %convert_element_type3A_299, %sub3A_182, %dot_general3A_305 {dimension_numbers = #tpu.dot_dimension_numbers<[1], [0], [0], [1], [0, 0, 1, 1], [], []>, transpose_lhs_hint = false} : vector<512x512xf32>, vector<512x64xf32>, vector<512x64xf32> -> vector<512x64xf32>
    %add3A_307 = arith.addf %add3A_304, %dot_general3A_306 : vector<512x64xf32>
    %sub3A_308 = arith.subf %dot_general3A_177, %add3A_307 : vector<512x64xf32>
    %add3A_309 = arith.constant 9.99999997E-7 : f32
    %add3A_310 = vector.broadcast %add3A_309 : f32 to vector<512x64xf32>
    %add3A_311 = arith.addf %sub3A_308, %add3A_310 : vector<512x64xf32>
    %mul3A_312 = arith.mulf %add3A_311, %add3A_311 : vector<512x64xf32>
    %reduce_sum3A_313 = arith.constant dense<0.000000e+00> : vector<512xf32>
    %reduce_sum3A_314 = vector.multi_reduction <add>, %mul3A_312, %reduce_sum3A_313 [1] : vector<512x64xf32> to vector<512xf32>
    %broadcast_in_dim3A_315 = vector.shape_cast %reduce_sum3A_314 : vector<512xf32> to vector<512x1xf32>
    %sqrt3A_316 = math.sqrt %broadcast_in_dim3A_315 : vector<512x1xf32>
    %convert_element_type3A_317 = arith.extui %eq3A_154 : vector<512x512xi1> to vector<512x512xi32>
    %convert_element_type3A_318 = arith.sitofp %convert_element_type3A_317 : vector<512x512xi32> to vector<512x512xf32>
    %dot_general3A_319 = arith.constant dense<0.000000e+00> : vector<512x64xf32>
    %dot_general3A_320 = tpu.matmul %convert_element_type3A_318, %convert_element_type3A_178, %dot_general3A_319 {dimension_numbers = #tpu.dot_dimension_numbers<[1], [0], [0], [1], [0, 0, 1, 1], [], []>, transpose_lhs_hint = false} : vector<512x512xf32>, vector<512x64xf32>, vector<512x64xf32> -> vector<512x64xf32>
    %dot_general3A_321 = arith.constant dense<0.000000e+00> : vector<512x64xf32>
    %dot_general3A_322 = tpu.matmul %convert_element_type3A_318, %convert_element_type3A_181, %dot_general3A_321 {dimension_numbers = #tpu.dot_dimension_numbers<[1], [0], [0], [1], [0, 0, 1, 1], [], []>, transpose_lhs_hint = false} : vector<512x512xf32>, vector<512x64xf32>, vector<512x64xf32> -> vector<512x64xf32>
    %add3A_323 = arith.addf %dot_general3A_320, %dot_general3A_322 : vector<512x64xf32>
    %dot_general3A_324 = arith.constant dense<0.000000e+00> : vector<512x64xf32>
    %dot_general3A_325 = tpu.matmul %convert_element_type3A_318, %sub3A_182, %dot_general3A_324 {dimension_numbers = #tpu.dot_dimension_numbers<[1], [0], [0], [1], [0, 0, 1, 1], [], []>, transpose_lhs_hint = false} : vector<512x512xf32>, vector<512x64xf32>, vector<512x64xf32> -> vector<512x64xf32>
    %add3A_326 = arith.addf %add3A_323, %dot_general3A_325 : vector<512x64xf32>
    %sub3A_327 = arith.subf %dot_general3A_177, %add3A_326 : vector<512x64xf32>
    %add3A_328 = arith.constant 9.99999997E-7 : f32
    %add3A_329 = vector.broadcast %add3A_328 : f32 to vector<512x64xf32>
    %add3A_330 = arith.addf %sub3A_327, %add3A_329 : vector<512x64xf32>
    %mul3A_331 = arith.mulf %add3A_330, %add3A_330 : vector<512x64xf32>
    %reduce_sum3A_332 = arith.constant dense<0.000000e+00> : vector<512xf32>
    %reduce_sum3A_333 = vector.multi_reduction <add>, %mul3A_331, %reduce_sum3A_332 [1] : vector<512x64xf32> to vector<512xf32>
    %broadcast_in_dim3A_334 = vector.shape_cast %reduce_sum3A_333 : vector<512xf32> to vector<512x1xf32>
    %sqrt3A_335 = math.sqrt %broadcast_in_dim3A_334 : vector<512x1xf32>
    %lt3A = arith.cmpf olt, %sqrt3A_335, %sqrt3A_316 : vector<512x1xf32>
    %select_n3A_336 = arith.select %lt3A, %sqrt3A_335, %sqrt3A_316 : vector<512x1xi1>, vector<512x1xf32>
    %broadcast_in_dim3A_337 = vector.shape_cast %lt3A : vector<512x1xi1> to vector<512x1xi1>
    %broadcast_in_dim3A_338 = vector.broadcast %broadcast_in_dim3A_337 : vector<512x1xi1> to vector<512x64xi1>
    %select_n3A_339 = arith.select %broadcast_in_dim3A_338, %add3A_326, %add3A_307 : vector<512x64xi1>, vector<512x64xf32>
    %convert_element_type3A_340 = arith.extui %eq3A_136 : vector<512x512xi1> to vector<512x512xi32>
    %convert_element_type3A_341 = arith.sitofp %convert_element_type3A_340 : vector<512x512xi32> to vector<512x512xf32>
    %dot_general3A_342 = arith.constant dense<0.000000e+00> : vector<512x64xf32>
    %dot_general3A_343 = tpu.matmul %convert_element_type3A_341, %convert_element_type3A_178, %dot_general3A_342 {dimension_numbers = #tpu.dot_dimension_numbers<[1], [0], [0], [1], [0, 0, 1, 1], [], []>, transpose_lhs_hint = false} : vector<512x512xf32>, vector<512x64xf32>, vector<512x64xf32> -> vector<512x64xf32>
    %dot_general3A_344 = arith.constant dense<0.000000e+00> : vector<512x64xf32>
    %dot_general3A_345 = tpu.matmul %convert_element_type3A_341, %convert_element_type3A_181, %dot_general3A_344 {dimension_numbers = #tpu.dot_dimension_numbers<[1], [0], [0], [1], [0, 0, 1, 1], [], []>, transpose_lhs_hint = false} : vector<512x512xf32>, vector<512x64xf32>, vector<512x64xf32> -> vector<512x64xf32>
    %add3A_346 = arith.addf %dot_general3A_343, %dot_general3A_345 : vector<512x64xf32>
    %dot_general3A_347 = arith.constant dense<0.000000e+00> : vector<512x64xf32>
    %dot_general3A_348 = tpu.matmul %convert_element_type3A_341, %sub3A_182, %dot_general3A_347 {dimension_numbers = #tpu.dot_dimension_numbers<[1], [0], [0], [1], [0, 0, 1, 1], [], []>, transpose_lhs_hint = false} : vector<512x512xf32>, vector<512x64xf32>, vector<512x64xf32> -> vector<512x64xf32>
    %add3A_349 = arith.addf %add3A_346, %dot_general3A_348 : vector<512x64xf32>
    %sub3A_350 = arith.subf %dot_general3A_177, %add3A_349 : vector<512x64xf32>
    %add3A_351 = arith.constant 9.99999997E-7 : f32
    %add3A_352 = vector.broadcast %add3A_351 : f32 to vector<512x64xf32>
    %add3A_353 = arith.addf %sub3A_350, %add3A_352 : vector<512x64xf32>
    %mul3A_354 = arith.mulf %add3A_353, %add3A_353 : vector<512x64xf32>
    %reduce_sum3A_355 = arith.constant dense<0.000000e+00> : vector<512xf32>
    %reduce_sum3A_356 = vector.multi_reduction <add>, %mul3A_354, %reduce_sum3A_355 [1] : vector<512x64xf32> to vector<512xf32>
    %broadcast_in_dim3A_357 = vector.shape_cast %reduce_sum3A_356 : vector<512xf32> to vector<512x1xf32>
    %sqrt3A_358 = math.sqrt %broadcast_in_dim3A_357 : vector<512x1xf32>
    %lt3A_359 = arith.cmpf olt, %sqrt3A_358, %select_n3A_336 : vector<512x1xf32>
    %select_n3A_360 = arith.select %lt3A_359, %sqrt3A_358, %select_n3A_336 : vector<512x1xi1>, vector<512x1xf32>
    %broadcast_in_dim3A_361 = vector.shape_cast %lt3A_359 : vector<512x1xi1> to vector<512x1xi1>
    %broadcast_in_dim3A_362 = vector.broadcast %broadcast_in_dim3A_361 : vector<512x1xi1> to vector<512x64xi1>
    %select_n3A_363 = arith.select %broadcast_in_dim3A_362, %add3A_349, %select_n3A_339 : vector<512x64xi1>, vector<512x64xf32>
    %convert_element_type3A_364 = arith.extui %eq3A_118 : vector<512x512xi1> to vector<512x512xi32>
    %convert_element_type3A_365 = arith.sitofp %convert_element_type3A_364 : vector<512x512xi32> to vector<512x512xf32>
    %dot_general3A_366 = arith.constant dense<0.000000e+00> : vector<512x64xf32>
    %dot_general3A_367 = tpu.matmul %convert_element_type3A_365, %convert_element_type3A_178, %dot_general3A_366 {dimension_numbers = #tpu.dot_dimension_numbers<[1], [0], [0], [1], [0, 0, 1, 1], [], []>, transpose_lhs_hint = false} : vector<512x512xf32>, vector<512x64xf32>, vector<512x64xf32> -> vector<512x64xf32>
    %dot_general3A_368 = arith.constant dense<0.000000e+00> : vector<512x64xf32>
    %dot_general3A_369 = tpu.matmul %convert_element_type3A_365, %convert_element_type3A_181, %dot_general3A_368 {dimension_numbers = #tpu.dot_dimension_numbers<[1], [0], [0], [1], [0, 0, 1, 1], [], []>, transpose_lhs_hint = false} : vector<512x512xf32>, vector<512x64xf32>, vector<512x64xf32> -> vector<512x64xf32>
    %add3A_370 = arith.addf %dot_general3A_367, %dot_general3A_369 : vector<512x64xf32>
    %dot_general3A_371 = arith.constant dense<0.000000e+00> : vector<512x64xf32>
    %dot_general3A_372 = tpu.matmul %convert_element_type3A_365, %sub3A_182, %dot_general3A_371 {dimension_numbers = #tpu.dot_dimension_numbers<[1], [0], [0], [1], [0, 0, 1, 1], [], []>, transpose_lhs_hint = false} : vector<512x512xf32>, vector<512x64xf32>, vector<512x64xf32> -> vector<512x64xf32>
    %add3A_373 = arith.addf %add3A_370, %dot_general3A_372 : vector<512x64xf32>
    %sub3A_374 = arith.subf %dot_general3A_177, %add3A_373 : vector<512x64xf32>
    %add3A_375 = arith.constant 9.99999997E-7 : f32
    %add3A_376 = vector.broadcast %add3A_375 : f32 to vector<512x64xf32>
    %add3A_377 = arith.addf %sub3A_374, %add3A_376 : vector<512x64xf32>
    %mul3A_378 = arith.mulf %add3A_377, %add3A_377 : vector<512x64xf32>
    %reduce_sum3A_379 = arith.constant dense<0.000000e+00> : vector<512xf32>
    %reduce_sum3A_380 = vector.multi_reduction <add>, %mul3A_378, %reduce_sum3A_379 [1] : vector<512x64xf32> to vector<512xf32>
    %broadcast_in_dim3A_381 = vector.shape_cast %reduce_sum3A_380 : vector<512xf32> to vector<512x1xf32>
    %sqrt3A_382 = math.sqrt %broadcast_in_dim3A_381 : vector<512x1xf32>
    %lt3A_383 = arith.cmpf olt, %sqrt3A_382, %select_n3A_360 : vector<512x1xf32>
    %select_n3A_384 = arith.select %lt3A_383, %sqrt3A_382, %select_n3A_360 : vector<512x1xi1>, vector<512x1xf32>
    %broadcast_in_dim3A_385 = vector.shape_cast %lt3A_383 : vector<512x1xi1> to vector<512x1xi1>
    %broadcast_in_dim3A_386 = vector.broadcast %broadcast_in_dim3A_385 : vector<512x1xi1> to vector<512x64xi1>
    %select_n3A_387 = arith.select %broadcast_in_dim3A_386, %add3A_373, %select_n3A_363 : vector<512x64xi1>, vector<512x64xf32>
    %convert_element_type3A_388 = arith.extui %eq3A_101 : vector<512x512xi1> to vector<512x512xi32>
    %convert_element_type3A_389 = arith.sitofp %convert_element_type3A_388 : vector<512x512xi32> to vector<512x512xf32>
    %dot_general3A_390 = arith.constant dense<0.000000e+00> : vector<512x64xf32>
    %dot_general3A_391 = tpu.matmul %convert_element_type3A_389, %convert_element_type3A_178, %dot_general3A_390 {dimension_numbers = #tpu.dot_dimension_numbers<[1], [0], [0], [1], [0, 0, 1, 1], [], []>, transpose_lhs_hint = false} : vector<512x512xf32>, vector<512x64xf32>, vector<512x64xf32> -> vector<512x64xf32>
    %dot_general3A_392 = arith.constant dense<0.000000e+00> : vector<512x64xf32>
    %dot_general3A_393 = tpu.matmul %convert_element_type3A_389, %convert_element_type3A_181, %dot_general3A_392 {dimension_numbers = #tpu.dot_dimension_numbers<[1], [0], [0], [1], [0, 0, 1, 1], [], []>, transpose_lhs_hint = false} : vector<512x512xf32>, vector<512x64xf32>, vector<512x64xf32> -> vector<512x64xf32>
    %add3A_394 = arith.addf %dot_general3A_391, %dot_general3A_393 : vector<512x64xf32>
    %dot_general3A_395 = arith.constant dense<0.000000e+00> : vector<512x64xf32>
    %dot_general3A_396 = tpu.matmul %convert_element_type3A_389, %sub3A_182, %dot_general3A_395 {dimension_numbers = #tpu.dot_dimension_numbers<[1], [0], [0], [1], [0, 0, 1, 1], [], []>, transpose_lhs_hint = false} : vector<512x512xf32>, vector<512x64xf32>, vector<512x64xf32> -> vector<512x64xf32>
    %add3A_397 = arith.addf %add3A_394, %dot_general3A_396 : vector<512x64xf32>
    %sub3A_398 = arith.subf %dot_general3A_177, %add3A_397 : vector<512x64xf32>
    %add3A_399 = arith.constant 9.99999997E-7 : f32
    %add3A_400 = vector.broadcast %add3A_399 : f32 to vector<512x64xf32>
    %add3A_401 = arith.addf %sub3A_398, %add3A_400 : vector<512x64xf32>
    %mul3A_402 = arith.mulf %add3A_401, %add3A_401 : vector<512x64xf32>
    %reduce_sum3A_403 = arith.constant dense<0.000000e+00> : vector<512xf32>
    %reduce_sum3A_404 = vector.multi_reduction <add>, %mul3A_402, %reduce_sum3A_403 [1] : vector<512x64xf32> to vector<512xf32>
    %broadcast_in_dim3A_405 = vector.shape_cast %reduce_sum3A_404 : vector<512xf32> to vector<512x1xf32>
    %sqrt3A_406 = math.sqrt %broadcast_in_dim3A_405 : vector<512x1xf32>
    %lt3A_407 = arith.cmpf olt, %sqrt3A_406, %select_n3A_384 : vector<512x1xf32>
    %broadcast_in_dim3A_408 = vector.shape_cast %lt3A_407 : vector<512x1xi1> to vector<512x1xi1>
    %broadcast_in_dim3A_409 = vector.broadcast %broadcast_in_dim3A_408 : vector<512x1xi1> to vector<512x64xi1>
    %select_n3A_410 = arith.select %broadcast_in_dim3A_409, %add3A_397, %select_n3A_387 : vector<512x64xi1>, vector<512x64xf32>
    %swap3A_411 = arith.constant 0 : index
    %swap3A_412 = arith.constant 0 : index
    %swap3A_413 = vector.load %arg5[%swap3A_411, %swap3A_412] : memref<512x64xf32, #tpu.memory_space<vmem>>, vector<512x64xf32>
    tpu.vector_store %arg5[%swap3A_411, %swap3A_412], %select_n3A_410 {strides = array<i32>} : memref<512x64xf32, #tpu.memory_space<vmem>>, vector<512x64xf32>,
    %swap3A_414 = arith.constant 0 : index
    %swap3A_415 = arith.constant 0 : index
    %swap3A_416 = vector.load %arg3[%swap3A_414, %swap3A_415] : memref<512x64xf32, #tpu.memory_space<vmem>>, vector<512x64xf32>
    tpu.vector_store %arg3[%swap3A_414, %swap3A_415], %dot_general3A_177 {strides = array<i32>} : memref<512x64xf32, #tpu.memory_space<vmem>>, vector<512x64xf32>,
    %broadcast_in_dim3A_417 = arith.constant 1.000000e+00 : f32
    %broadcast_in_dim3A_418 = vector.broadcast %broadcast_in_dim3A_417 : f32 to vector<512x1xf32>
    %broadcast_in_dim3A_419 = arith.constant 0.000000e+00 : f32
    %broadcast_in_dim3A_420 = vector.broadcast %broadcast_in_dim3A_419 : f32 to vector<512x15xf32>
    %concatenate3A = tpu.concatenate %dot_general3A_177, %broadcast_in_dim3A_418, %broadcast_in_dim3A_420 in 1 : vector<512x64xf32>, vector<512x1xf32>, vector<512x15xf32> -> vector<512x80xf32>
    %swap3A_421 = arith.constant 0 : index
    %swap3A_422 = arith.constant 0 : index
    %swap3A_423 = vector.load %arg6[%swap3A_421, %swap3A_422] : memref<512x80xf32, #tpu.memory_space<vmem>>, vector<512x80xf32>
    tpu.vector_store %arg6[%swap3A_421, %swap3A_422], %concatenate3A {strides = array<i32>} : memref<512x80xf32, #tpu.memory_space<vmem>>, vector<512x80xf32>,
    return
  }
  func.func @transform_0(%arg0: i32) -> (i32, i32) {
    %c0_i32 = arith.constant 0 : i32
    %c0_i32_0 = arith.constant 0 : i32
    return %arg0, %c0_i32 : i32, i32
  }
  func.func @transform_1(%arg0: i32) -> (i32, i32) {
    %c0_i32 = arith.constant 0 : i32
    %c0_i32_0 = arith.constant 0 : i32
    %c0_i32_1 = arith.constant 0 : i32
    return %c0_i32, %c0_i32_0 : i32, i32
  }
  func.func @transform_2(%arg0: i32) -> (i32, i32) {
    %c0_i32 = arith.constant 0 : i32
    %c0_i32_0 = arith.constant 0 : i32
    return %arg0, %c0_i32 : i32, i32
  }
  func.func @transform_3(%arg0: i32) -> (i32, i32) {
    %c0_i32 = arith.constant 0 : i32
    %c0_i32_0 = arith.constant 0 : i32
    return %arg0, %c0_i32 : i32, i32
  }
  func.func @transform_4(%arg0: i32) -> (i32, i32) {
    %c0_i32 = arith.constant 0 : i32
    %c0_i32_0 = arith.constant 0 : i32
    return %arg0, %c0_i32 : i32, i32
  }
  func.func @transform_5(%arg0: i32) -> (i32, i32) {
    %c0_i32 = arith.constant 0 : i32
    %c0_i32_0 = arith.constant 0 : i32
    return %arg0, %c0_i32 : i32, i32
  }
}

module attributes {stable_mosaic.version = 14 : i64} {
  func.func @_head_body(%arg0: i32, %arg1: memref<512x80xf32, #tpu.memory_space<vmem>>, %arg2: memref<512x80xf32, #tpu.memory_space<vmem>>, %arg3: memref<64x64xf32, #tpu.memory_space<vmem>>, %arg4: memref<64x128xf32, #tpu.memory_space<vmem>>, %arg5: memref<512x64xf32, #tpu.memory_space<vmem>>, %arg6: memref<512x128xf32, #tpu.memory_space<vmem>>) attributes {dimension_semantics = [#tpu.dimension_semantics<arbitrary>], iteration_bounds = array<i64: 32>, scalar_prefetch = 0 : i64, scratch_operands = 0 : i64, tpu.core_type = #tpu.core_type<tc>, window_params = [{transform_indices = @transform_0, window_bounds = array<i64: 512, 80>}, {transform_indices = @transform_1, window_bounds = array<i64: 512, 80>}, {pipeline_mode = #tpu.pipeline_mode<synchronous>, transform_indices = @transform_2, window_bounds = array<i64: 64, 64>}, {pipeline_mode = #tpu.pipeline_mode<synchronous>, transform_indices = @transform_3, window_bounds = array<i64: 64, 128>}, {transform_indices = @transform_4, window_bounds = array<i64: 512, 64>}, {transform_indices = @transform_5, window_bounds = array<i64: 512, 128>}]} {
    %get3A = arith.constant 0 : index
    %get3A_0 = arith.constant 0 : index
    %get3A_1 = vector.load %arg1[%get3A, %get3A_0] : memref<512x80xf32, #tpu.memory_space<vmem>>, vector<512x80xf32>
    %get3A_2 = arith.constant 0 : index
    %get3A_3 = arith.constant 0 : index
    %get3A_4 = vector.load %arg2[%get3A_2, %get3A_3] : memref<512x80xf32, #tpu.memory_space<vmem>>, vector<512x80xf32>
    %add3A = arith.addf %get3A_1, %get3A_4 : vector<512x80xf32>
    %slice3A = vector.extract_strided_slice %add3A {offsets = [0, 0], sizes = [512, 64], strides = [1, 1]} : vector<512x80xf32> to vector<512x64xf32>
    %slice3A_5 = vector.extract_strided_slice %add3A {offsets = [0, 64], sizes = [512, 1], strides = [1, 1]} : vector<512x80xf32> to vector<512x1xf32>
    %max3A = arith.constant 1.000000e+00 : f32
    %max3A_6 = vector.broadcast %max3A : f32 to vector<512x1xf32>
    %max3A_7 = arith.maximumf %slice3A_5, %max3A_6 : vector<512x1xf32>
    %div3A = vector.broadcast %max3A_7 : vector<512x1xf32> to vector<512x64xf32>
    %div3A_8 = arith.divf %slice3A, %div3A : vector<512x64xf32>
    %get3A_9 = arith.constant 0 : index
    %get3A_10 = arith.constant 0 : index
    %get3A_11 = vector.load %arg3[%get3A_9, %get3A_10] : memref<64x64xf32, #tpu.memory_space<vmem>>, vector<64x64xf32>
    %dot_general3A = arith.constant dense<0.000000e+00> : vector<512x64xf32>
    %dot_general3A_12 = tpu.matmul %div3A_8, %get3A_11, %dot_general3A {dimension_numbers = #tpu.dot_dimension_numbers<[1], [0], [0], [1], [0, 0, 1, 1], [], []>, transpose_lhs_hint = false} : vector<512x64xf32>, vector<64x64xf32>, vector<512x64xf32> -> vector<512x64xf32>
    %max3A_13 = arith.constant 0.000000e+00 : f32
    %max3A_14 = vector.broadcast %max3A_13 : f32 to vector<512x64xf32>
    %max3A_15 = arith.maximumf %dot_general3A_12, %max3A_14 : vector<512x64xf32>
    %swap3A = arith.constant 0 : index
    %swap3A_16 = arith.constant 0 : index
    %swap3A_17 = vector.load %arg5[%swap3A, %swap3A_16] : memref<512x64xf32, #tpu.memory_space<vmem>>, vector<512x64xf32>
    tpu.vector_store %arg5[%swap3A, %swap3A_16], %max3A_15 {strides = array<i32>} : memref<512x64xf32, #tpu.memory_space<vmem>>, vector<512x64xf32>,
    %get3A_18 = arith.constant 0 : index
    %get3A_19 = arith.constant 0 : index
    %get3A_20 = vector.load %arg4[%get3A_18, %get3A_19] : memref<64x128xf32, #tpu.memory_space<vmem>>, vector<64x128xf32>
    %dot_general3A_21 = arith.constant dense<0.000000e+00> : vector<512x128xf32>
    %dot_general3A_22 = tpu.matmul %max3A_15, %get3A_20, %dot_general3A_21 {dimension_numbers = #tpu.dot_dimension_numbers<[1], [0], [0], [1], [0, 0, 1, 1], [], []>, transpose_lhs_hint = false} : vector<512x64xf32>, vector<64x128xf32>, vector<512x128xf32> -> vector<512x128xf32>
    %swap3A_23 = arith.constant 0 : index
    %swap3A_24 = arith.constant 0 : index
    %swap3A_25 = vector.load %arg6[%swap3A_23, %swap3A_24] : memref<512x128xf32, #tpu.memory_space<vmem>>, vector<512x128xf32>
    tpu.vector_store %arg6[%swap3A_23, %swap3A_24], %dot_general3A_22 {strides = array<i32>} : memref<512x128xf32, #tpu.memory_space<vmem>>, vector<512x128xf32>,
    return
  }
  func.func @transform_0(%arg0: i32) -> (i32, i32) {
    %c0_i32 = arith.constant 0 : i32
    %c0_i32_0 = arith.constant 0 : i32
    return %arg0, %c0_i32 : i32, i32
  }
  func.func @transform_1(%arg0: i32) -> (i32, i32) {
    %add3A = arith.constant 32 : i32
    %add3A_0 = arith.addi %arg0, %add3A : i32
    %c0_i32 = arith.constant 0 : i32
    %c0_i32_1 = arith.constant 0 : i32
    return %add3A_0, %c0_i32 : i32, i32
  }
  func.func @transform_2(%arg0: i32) -> (i32, i32) {
    %c0_i32 = arith.constant 0 : i32
    %c0_i32_0 = arith.constant 0 : i32
    %c0_i32_1 = arith.constant 0 : i32
    return %c0_i32, %c0_i32_0 : i32, i32
  }
  func.func @transform_3(%arg0: i32) -> (i32, i32) {
    %c0_i32 = arith.constant 0 : i32
    %c0_i32_0 = arith.constant 0 : i32
    %c0_i32_1 = arith.constant 0 : i32
    return %c0_i32, %c0_i32_0 : i32, i32
  }
  func.func @transform_4(%arg0: i32) -> (i32, i32) {
    %c0_i32 = arith.constant 0 : i32
    %c0_i32_0 = arith.constant 0 : i32
    return %arg0, %c0_i32 : i32, i32
  }
  func.func @transform_5(%arg0: i32) -> (i32, i32) {
    %c0_i32 = arith.constant 0 : i32
    %c0_i32_0 = arith.constant 0 : i32
    return %arg0, %c0_i32 : i32, i32
  }
}

</mosaic_0001>

<sc_bundles>
// kernel: kernel.5.cloned.1.call-start
scs
__scs_entry_jumppad:
0x0: {  	(pc) =	sbr.rel $0x88, $3  }
0x1: {  	(tag) =	ssettag $0x0;
	lr =	simm.s32 $0x1  }
0x2: {  	[smem:$0x3F9C] =	sst lr;
	_ =	strace $0xD0000000  }
0x3: {  	_ = 	snop  }
0x4: {  	_ = 	snop  }
0x5: {  	_ = 	snop  }
0x6: {  	_ = 	snop  }
0x7: {  	_ = 	snop  }
__scs_overlays_trampoline_lowered:
0x8: {  	[smem:$0x3FAB] =	sst s0  }
0x9: {  	[smem:$0x3FAC] =	sst s1  }
0xa: {  	[smem:$0x3FAD] =	sst s2  }
0xb: {  	[smem:$0x3FAE] =	sst s3  }
0xc: {  	[smem:$0x3FAF] =	sst s4  }
0xd: {  	[smem:$0x3FB0] =	sst s5  }
0xe: {  	[smem:$0x3FB1] =	sst s6  }
0xf: {  	[smem:$0x3FB2] =	sst s7  }
0x10: {  	[smem:$0x3FB3] =	sst s8  }
0x11: {  	[smem:$0x3FB4] =	sst s9;
	s0 =	simm.s32 @!p0 $0x0  }
0x12: {  	s1 =	sld [smem:$0x3F9A];
	s0 =	simm.s32 @p0 $0x1  }
0x13: {  	[smem:$0x3FB5] =	sst s0;
	s0 =	simm.s32 @!p1 $0x0  }
0x14: {  	s2 =	sld [smem:$0x3F99];
	s0 =	simm.s32 @p1 $0x1  }
0x15: {  	[smem:$0x3FB6] =	sst s0;
	s0 =	simm.s32 @!p2 $0x0  }
0x16: {  	s3 =	sld [smem:$0x3FDB];
	s0 =	simm.s32 @p2 $0x1  }
0x17: {  	s4 =	simm.s32 $0x1BF5;
	[smem:$0x3FB8] =	sst s0  }
0x18: {  	s0 =	sld [smem:$0x3F9B];
	_ =	swait.ge [sflag:s4], $0x0  }
0x19: {  	s7 =	sld [smem:$0x3F9C]  }
0x1a: {  	s8 =	sadd.s32 $0xFFFFE003, lr  }
0x1b: {  	s9 =	sadd.s32 $0xFFFFFEF7, lr;
	s5 =	simm.s32 $0xFFFFFFFF;
	p2 =	slt.u32 s8, $0xFFFFF086  }
0x1c: {  	p1 =	slt.u32 s9, $0xF7A;
	s5 =	simm.s32 @!p2 $0x0  }
0x1d: {  	s5 =	simm.s32 @p1 $0x1;
	p0 =	seq.s32 s7, s2  }
0x1e: {  	s7 =	smul.u32 @!p0 $0xF7A, s2;
	p2 =	seq.s32 @!p0 s5, $0x0  }
0x1f: {  	s9 =	smul.u32 $0xF7A, s1;
	s8 =	simm.s32 @!p0 $0x1BF5;
	p2 =	por !p2, p0  }
0x20: {  	[sflag:s8] =	ssyncset.s32 @!p0 $0xFFFFF086;
	s6 =	sadd.s32 @!p0 s3, s7;
	s7 =	simm.s32 @!p0 $0x108  }
0x21: {  	s3 =	sadd.s32 s3, s9;
	s6 =	sadd.s32 @!p0 $0x88, s6;
	s7 =	simm.s32 @p2 $0x1082  }
0x22: {  	[simem:s7], [sflag:s8] =	dma.local @!p0 [hbm:s6], $0xF7A  }
0x23: {  	s9 =	sor.u32 $0xD0000000, s2;
	s6 =	simm.s32 $0x108;
	_ =	swait.ge @!p0 [sflag:s8], $0x0  }
0x24: {  	s3 =	sadd.s32 $0x88, s3;
	s6 =	simm.s32 @!p1 $0x1082;
	[sflag:s4] =	ssyncset.s32 $0xFFFFF086  }
0x25: {  	[simem:s6], [sflag:s4] =	dma.local [hbm:s3], $0xF7A  }
0x26: {  	[smem:$0x3F9C] =	sst s1;
	(tag) =	ssettag s2;
	_ =	strace s9  }
0x27: {  	s1 =	sld [smem:$0x3FAC]  }
0x28: {  	s2 =	sld [smem:$0x3FAD]  }
0x29: {  	s4 =	sld [smem:$0x3FAF]  }
0x2a: {  	p0 =	seq.s32 s5, $0x0;
	s5 =	sld [smem:$0x3FB0]  }
0x2b: {  	s6 =	sld [smem:$0x3FB1]  }
0x2c: {  	s7 =	sld [smem:$0x3FB2]  }
0x2d: {  	s3 =	simm.s32 $0x108;
	s8 =	sld [smem:$0x3FB3]  }
0x2e: {  	s3 =	simm.s32 @!p0 $0x1082;
	s9 =	sld [smem:$0x3FB4]  }
0x2f: {  	lr =	sadd.s32 s0, s3;
	s0 =	sld [smem:$0x3FAB]  }
0x30: {  	s3 =	sld [smem:$0x3FAE]  }
0x31: {  	[smem:$0x3FB7] =	sst s10  }
0x32: {  	s10 =	sld [smem:$0x3FB5];
	_ =	sdelay $0x3  }
0x33: {  	p0 =	seq.s32 s10, $0x1;
	s10 =	sld [smem:$0x3FB7];
	_ =	sdelay $0x3  }
0x34: {  	[smem:$0x3FB7] =	sst s10  }
0x35: {  	s10 =	sld [smem:$0x3FB6];
	_ =	sdelay $0x3  }
0x36: {  	p1 =	seq.s32 s10, $0x1;
	s10 =	sld [smem:$0x3FB7];
	_ =	sdelay $0x3  }
0x37: {  	[smem:$0x3FB7] =	sst s10  }
0x38: {  	s10 =	sld [smem:$0x3FB8]  }
0x39: {  	_ = 	snop;
	(pc) =	sbr.ind lr, $3  }
0x3a: {  	_ = 	snop  }
0x3b: {  	_ = 	snop  }
0x3c: {  	p2 =	seq.s32 s10, $0x1;
	s10 =	sld [smem:$0x3FB7]  }
0x3d: {  	_ =	shalt  }
0x3e: {  	_ =	shalt  }
0x3f: {  	_ =	shalt  }
0x40: {  	_ =	shalt  }
0x41: {  	_ =	shalt  }
0x42: {  	_ =	shalt  }
0x43: {  	_ =	shalt  }
0x44: {  	_ =	shalt  }
0x45: {  	_ =	shalt  }
0x46: {  	_ =	shalt  }
0x47: {  	_ =	shalt  }
0x48: {  	_ =	shalt  }
0x49: {  	_ =	shalt  }
0x4a: {  	_ =	shalt  }
0x4b: {  	_ =	shalt  }
0x4c: {  	_ =	shalt  }
0x4d: {  	_ =	shalt  }
0x4e: {  	_ =	shalt  }
0x4f: {  	_ =	shalt  }
0x50: {  	_ =	shalt  }
0x51: {  	_ =	shalt  }
0x52: {  	_ =	shalt  }
0x53: {  	_ =	shalt  }
0x54: {  	_ =	shalt  }
0x55: {  	_ =	shalt  }
0x56: {  	_ =	shalt  }
0x57: {  	_ =	shalt  }
0x58: {  	_ =	shalt  }
0x59: {  	_ =	shalt  }
0x5a: {  	_ =	shalt  }
0x5b: {  	_ =	shalt  }
0x5c: {  	_ =	shalt  }
0x5d: {  	_ =	shalt  }
0x5e: {  	_ =	shalt  }
0x5f: {  	_ =	shalt  }
0x60: {  	_ =	shalt  }
0x61: {  	_ =	shalt  }
0x62: {  	_ =	shalt  }
0x63: {  	_ =	shalt  }
0x64: {  	_ =	shalt  }
0x65: {  	_ =	shalt  }
0x66: {  	_ =	shalt  }
0x67: {  	_ =	shalt  }
0x68: {  	_ =	shalt  }
0x69: {  	_ =	shalt  }
0x6a: {  	_ =	shalt  }
0x6b: {  	_ =	shalt  }
0x6c: {  	_ =	shalt  }
0x6d: {  	_ =	shalt  }
0x6e: {  	_ =	shalt  }
0x6f: {  	_ =	shalt  }
0x70: {  	_ =	shalt  }
0x71: {  	_ =	shalt  }
0x72: {  	_ =	shalt  }
0x73: {  	_ =	shalt  }
0x74: {  	_ =	shalt  }
0x75: {  	_ =	shalt  }
0x76: {  	_ =	shalt  }
0x77: {  	_ =	shalt  }
0x78: {  	_ =	shalt  }
0x79: {  	_ =	shalt  }
0x7a: {  	_ =	shalt  }
0x7b: {  	_ =	shalt  }
0x7c: {  	_ =	shalt  }
0x7d: {  	_ =	shalt  }
0x7e: {  	_ =	shalt  }
0x7f: {  	_ =	shalt  }
0x80: {  	_ =	shalt  }
0x81: {  	_ =	shalt  }
0x82: {  	_ =	shalt  }
0x83: {  	_ =	shalt  }
0x84: {  	_ =	shalt  }
0x85: {  	_ =	shalt  }
0x86: {  	_ =	shalt  }
0x87: {  	_ =	shalt  }
.Lfunc_end0:
.L_simem_size_0:
called_computation_lowered:
.L_overlay_start_0:
0x88: {  	s2 =	sld [smem:$0x3FD9]  }
0x89: {  	s3 =	sld [smem:$0x3FFE];
	_ =	sdelay $0x1  }
0x8a: {  	s1 =	srdreg.scid  }
0x8b: {  	s0 =	sand.u32 $0x1, s1  }
0x8c: {  	s14 =	sshll.u32 s0, $0xA;
	s2 =	sadd.s32 s3, s2  }
0x8d: {  	s2 =	sadd.s32 s2, s14  }
0x8e: {  	[smem:$0x3FC3] =	sst s2  }
0x8f: {  	_ = 	snop  }
0x90: {  	s2 =	sld [smem:$0x3FD0];
	_ =	sdelay $0x2  }
0x91: {  	s15 =	simm.s32 $0xA;
	s4 =	simm.s32 $0x10  }
0x92: {  	[smem:s4], [sflag:s15] =	dma.local [hbm:s2], $0x1  }
0x93: {  	_ =	swait.eq [sflag:s15], $0x1  }
0x94: {  	[sflag:s15] =	ssyncset.done $0x0  }
0x95: {  	[sflag:s15] =	ssyncadd.s32 $0xFFFFFFFF  }
0x96: {  	s16 =	sld [smem:$0x11];
	(tm) =	ssettm $0x1  }
0x97: {  	s17 =	sld [smem:$0x3FFB];
	_ =	sdelay $0x3  }
0x98: {  	_ =	strace s17  }
0x99: {  	s3 =	sld [smem:$0x3FFC];
	_ =	sdelay $0x3  }
0x9a: {  	_ =	strace s3  }
0x9b: {  	s3 =	sld [smem:$0x3FFD];
	_ =	sdelay $0x3  }
0x9c: {  	_ =	strace s3  }
0x9d: {  	_ =	strace $0x8FFFFFFF  }
0x9e: {  	s18 =	sld [smem:$0x3FDB];
	_ =	sdelay $0x1  }
0x9f: {  	s19 =	simm.s32 $_scs_section_size  }
0xa0: {  	s5 =	simm.s32 $_size__tile_overlayer_lowered;
	s6 =	simm.s32 $_tile_overlayer_lowered  }
0xa1: {  	s22 =	simm.s32 $0x1BFF;
	s21 =	sshll.u32 s6, $0x1;
	s3 =	sadd.s32 s19, s18  }
0xa2: {  	s7 =	simm.s32 $0x0;
	s20 =	sshll.u32 s5, $0x1;
	s5 =	sadd.s32 s21, s3  }
0xa3: {  	[timem:s7], [sflag:s22] =	dma.local [hbm:s5], s20  }
0xa4: {  	_ =	swait.ge [sflag:s22], s20  }
0xa5: {  	s4 =	ssub.s32 $0x0, s20;
	[sflag:s22] =	ssyncset.done $0x0  }
0xa6: {  	[sflag:s22] =	ssyncadd.s32 s4;
	_ =	sdelay $0x1  }
0xa7: {  	s23 =	simm.s32 $0x1B8B  }
0xa8: {  	_ =	swait.ge [sflag:s23], $0x1  }
0xa9: {  	[sflag:s23] =	ssyncset.done $0x0  }
0xaa: {  	s25 =	simm.s32 $0x1B8E;
	s24 =	sld [smem:$0x3FFE];
	[sflag:s23] =	ssyncadd.s32 $0xFFFFFFFF  }
0xab: {  	s26 =	simm.s32 $execute0_lowered;
	[smem:$0x3FD2] =	sst s25  }
0xac: {  	s5 =	sshll.u32 s26, $0x1;
	_ =	strace $0x80000046;
	[dreg:$0x1] =	wrdreg $0xFFFFFFFF  }
0xad: {  	s28 =	simm.s32 $_size_execute0_lowered;
	s3 =	sadd.s32 s3, s5;
	[dreg:$0x0] =	wrdreg $0x0  }
0xae: {  	s5 =	sshll.u32 s28, $0x1;
	[dreg:$0x2] =	wrdreg s3  }
0xaf: {  	[dreg:$0x3] =	wrdreg s5  }
0xb0: {  	[dreg:$0x4] =	wrdreg $0xC0  }
0xb1: {  	_ =	task [dreg:s7], $0x5FFFF  }
0xb2: {  	[dreg:$0x1] =	wrdreg $0xFFFFFFFF  }
0xb3: {  	[dreg:$0x0] =	wrdreg $0x60  }
0xb4: {  	[dreg:$0x2] =	wrdreg s24  }
0xb5: {  	[dreg:$0x3] =	wrdreg s16  }
0xb6: {  	[dreg:$0x4] =	wrdreg $0xB8000  }
0xb7: {  	[dreg:$0x5] =	wrdreg $0x9  }
0xb8: {  	_ =	task.clear_ibuf [dreg:s7], $0x6FFFF;
	_ =	strace $0x90000046  }
0xb9: {  	s29 =	simm.s32 $0x9;
	_ =	strace $0x80000048  }
0xba: {  	_ =	swait.ge [sflag:s29], $0x1  }
0xbb: {  	[sflag:s29] =	ssyncadd.s32 $0xFFFFFFFF  }
0xbc: {  	_ =	strace $0x90000048  }
0xbd: {  	_ =	sfence  }
0xbe: {  	s30 =	sld [smem:$0x0];
	_ =	sdelay $0x2  }
0xbf: {  	s31 =	sshll.u32 s1, $0xD;
	s1 =	sshrl.u32 s1, $0x2  }
0xc0: {  	s3 =	sand.u32 $0x4000, s31;
	s1 =	sadd.s32 s1, s30  }
0xc1: {  	s0 =	sor.u32 s3, s0;
	s1 =	sshll.u32 s1, $0x11  }
0xc2: {  	s0 =	sor.u32 s1, s0  }
0xc3: {  	s0 =	sadd.s32 $0x8F2B, s0  }
0xc4: {  	[sflag:s0] =	ssyncadd.remote.s32 $0x1  }
0xc5: {  	_ =	sfence.sel $0xFFFF  }
0xc6: {  	[dreg:$0x0] =	wrdreg $0xFFFFFFFF;
	(pc) =	sbr.abs _section_cstart, $3  }
0xc7: {  	[dreg:$0x1] =	wrdreg $0xFFFFFFFF  }
0xc8: {  	_ =	task.clear_ibuf [dreg:s7], $0x2FFFF;
	_ =	strace $0x9FFFFFFF  }
0xc9: {  	(tm) =	ssettm $0x7FFFFFFF  }
tec
execute0_lowered:
.L_overlay_start_1:
0x0: {  	(tag) =	ssettag $0x1  }
0x1: {  	s5 =	rddreg [dreg:$0x0]  }
0x2: {  	s11 =	rddreg [dreg:$0x1]  }
0x3: {  	s2 =	rddreg [dreg:$0x2];
	s3 =	srdreg.scid  }
0x4: {  	s0 =	rddreg [dreg:$0x3];
	s1 =	stileid.u32;
	s17 =	simm.s32 $0x9000  }
0x5: {  	s18 =	simm.s32 $0x3;
	s19 =	simm.s32 $0x2000;
	s20 =	simm.s32 $0x80  }
0x6: {  	s21 =	simm.s32 $0x4000;
	s22 =	simm.s32 $0x6800;
	s23 =	simm.s32 $0x1  }
0x7: {  	s24 =	simm.s32 $0x2;
	s25 =	simm.s32 $0x3F00;
	s26 =	simm.s32 $0x3F80  }
0x8: {  	s7 =	sand.u32 $0x1, s3;
	s3 =	simm.s32 $0x0;
	s4 =	sshll.u32 s1, $0xA  }
0x9: {  	s29 =	smul.u32 $0x50000, s1;
	s30 =	sshll.u32 s1, $0xB;
	s6 =	sshll.u32 s7, $0xE  }
0xa: {  	[smem:$0x7FF] =	sst s3;
	s9 =	ssub.s32 $0x2, s7;
	s31 =	sshll.u32 s7, $0xA  }
0xb: {  	s4 =	sor.u32 s4, s6;
	_ =	strace $0x80000047;
	s10 =	sshrl.u32 s9, $0x1  }
0xc: {  	s6 =	sshrl.u32 s29, $0x2;
	s12 =	sor.u32 s31, s30;
	s8 =	smul.u32 $0xA, s4  }
0xd: {  	s4 =	sadd.s32 $0x41400, s5;
	s16 =	ssub.s32 s9, s10;
	s11 =	sadd.s32 s11, s12  }
0xe: {  	s14 =	sadd.s32 $0x8000, s11;
	s15 =	sadd.s32 s8, s5;
	s5 =	sadd.s32 s6, s2  }
0xf: {  	s16 =	smax.u32 s16, $0x1;
	s6 =	sadd.s32 $0x2800, s5;
	s7 =	sadd.s32 $0x5000, s5  }
0x10: {  	s8 =	sadd.s32 $0x7800, s5;
	s9 =	sadd.s32 $0xA000, s5;
	s10 =	sadd.s32 $0xC800, s5  }
0x11: {  	v0 =	vimm.f32 $0.0e+00;
	s12 =	sadd.s32 $0xF000, s5;
	s13 =	sadd.s32 $0x11800, s5;
	s15 =	sadd.s32 $0x69400, s15  }
.LBB2_1:
0x12: {  	s29 =	simm.s32 $0x140;
	s28 =	simm.s32 $0x0  }
.LBB2_2:
0x13: {  	p0 =	sne.s32 s29, $0x9EC0;
	[tilespmem:s28+$0x9040] =	vst v0;
	s30 =	smov.u32 s29;
	s29 =	sadd.s32 $0x140, s29  }
.Ltmp0:
0x14: {  	[tilespmem:s28+$0x9030] =	vst v0;
	(pc) =	sbr.rel @p0 .LBB2_2-.Ltmp0, $4  }
0x15: {  	[tilespmem:s28+$0x9020] =	vst v0  }
0x16: {  	[tilespmem:s28+$0x9000] =	vst v0  }
0x17: {  	[tilespmem:s28+$0x9010] =	vst v0  }
0x18: {  	s28 =	sshra.s32 s30, $0x2  }
0x19: {  	[tilespmem:s28+$0x9040] =	vst v0  }
0x1a: {  	[tilespmem:s28+$0x9030] =	vst v0  }
0x1b: {  	[tilespmem:s28+$0x9020] =	vst v0  }
0x1c: {  	[tilespmem:s28+$0x9000] =	vst v0  }
0x1d: {  	[tilespmem:s28+$0x9010] =	vst v0  }
0x1e: {  	[spmem:s5] =	stream.linear.scatter [tilespmem:s17], [sflag:$0x3], $0x2800, $0x38;
	[tilespmem:$0x1F800] =	vst v63  }
0x1f: {  	_ =	swait.ge [sflag:s18], $0x2800  }
0x20: {  	[sflag:s18] =	ssyncset.done $0x0  }
0x21: {  	[sflag:s18] =	ssyncadd.s32 $0xFFFFD800  }
0x22: {  	[spmem:s6] =	stream.linear.scatter [tilespmem:s17], [sflag:$0x3], $0x2800, $0x38;
	[tilespmem:$0x1F800] =	vst v63  }
0x23: {  	_ =	swait.ge [sflag:s18], $0x2800  }
0x24: {  	[sflag:s18] =	ssyncset.done $0x0  }
0x25: {  	[sflag:s18] =	ssyncadd.s32 $0xFFFFD800  }
0x26: {  	[spmem:s7] =	stream.linear.scatter [tilespmem:s17], [sflag:$0x3], $0x2800, $0x38;
	[tilespmem:$0x1F800] =	vst v63  }
0x27: {  	_ =	swait.ge [sflag:s18], $0x2800  }
0x28: {  	[sflag:s18] =	ssyncset.done $0x0  }
0x29: {  	[sflag:s18] =	ssyncadd.s32 $0xFFFFD800  }
0x2a: {  	[spmem:s8] =	stream.linear.scatter [tilespmem:s17], [sflag:$0x3], $0x2800, $0x38;
	[tilespmem:$0x1F800] =	vst v63  }
0x2b: {  	_ =	swait.ge [sflag:s18], $0x2800  }
0x2c: {  	[sflag:s18] =	ssyncset.done $0x0  }
0x2d: {  	[sflag:s18] =	ssyncadd.s32 $0xFFFFD800  }
0x2e: {  	[spmem:s9] =	stream.linear.scatter [tilespmem:s17], [sflag:$0x3], $0x2800, $0x38;
	[tilespmem:$0x1F800] =	vst v63  }
0x2f: {  	_ =	swait.ge [sflag:s18], $0x2800  }
0x30: {  	[sflag:s18] =	ssyncset.done $0x0  }
0x31: {  	[sflag:s18] =	ssyncadd.s32 $0xFFFFD800  }
0x32: {  	[spmem:s10] =	stream.linear.scatter [tilespmem:s17], [sflag:$0x3], $0x2800, $0x38;
	[tilespmem:$0x1F800] =	vst v63  }
0x33: {  	_ =	swait.ge [sflag:s18], $0x2800  }
0x34: {  	[sflag:s18] =	ssyncset.done $0x0  }
0x35: {  	[sflag:s18] =	ssyncadd.s32 $0xFFFFD800  }
0x36: {  	[spmem:s12] =	stream.linear.scatter [tilespmem:s17], [sflag:$0x3], $0x2800, $0x38;
	[tilespmem:$0x1F800] =	vst v63  }
0x37: {  	_ =	swait.ge [sflag:s18], $0x2800  }
0x38: {  	[sflag:s18] =	ssyncset.done $0x0  }
0x39: {  	[sflag:s18] =	ssyncadd.s32 $0xFFFFD800  }
0x3a: {  	[spmem:s13] =	stream.linear.scatter [tilespmem:s17], [sflag:$0x3], $0x2800, $0x38;
	[tilespmem:$0x1F800] =	vst v63  }
0x3b: {  	_ =	swait.ge [sflag:s18], $0x2800  }
0x3c: {  	[sflag:s18] =	ssyncset.done $0x0  }
0x3d: {  	[sflag:s18] =	ssyncadd.s32 $0xFFFFD800  }
0x3e: {  	s28 =	simm.s32 $0x0;
	[bflag:$0x0] =	sbarrier.arrive $0xFFFF  }
0x3f: {  	[tilespmem:s28], [sflag:$0x3] =	stream.linear.gather [hbm4b:s11+s28], $0x2000, $0x38;
	[tilespmem:$0x1F800] =	vst v63  }
0x40: {  	_ =	swait.ge [sflag:s18], $0x2000  }
0x41: {  	[sflag:s18] =	ssyncset.done $0x0  }
0x42: {  	[sflag:s18] =	ssyncadd.s32 $0xFFFFE000  }
0x43: {  	[tilespmem:s19], [sflag:$0x3] =	stream.linear.gather [hbm4b:s14+s28], $0x2000, $0x38;
	[tilespmem:$0x1F800] =	vst v63  }
0x44: {  	_ =	swait.ge [sflag:s18], $0x2000  }
0x45: {  	[sflag:s18] =	ssyncset.done $0x0  }
0x46: {  	[sflag:s18] =	ssyncadd.s32 $0xFFFFE000  }
0x47: {  	[tilespmem:s21], [sflag:$0x1] =	stream.indirect.gather [hbm4b:s4+s20], $0x50, s28, s20, $0xb8;
	[tilespmem:$0x1F800] =	vst v63  }
0x48: {  	_ = 	snop  }
0x49: {  	[tilespmem:s22], [sflag:$0x2] =	stream.indirect.gather [hbm4b:s4+s20], $0x50, s20, s20, $0xb8;
	[tilespmem:$0x1F800] =	vst v63  }
0x4a: {  	_ =	swait.ge [sflag:s23], $0x2800  }
0x4b: {  	[sflag:s23] =	ssyncset.done $0x0  }
0x4c: {  	s28 =	simm.s32 $0x2000;
	[sflag:s23] =	ssyncadd.s32 $0xFFFFD800  }
0x4d: {  	[spmem:s2] =	stream.indirect.scatter.add.f32 [tilespmem:s21], [sflag:$0x3], $0x50, s28, s20, $0xb8;
	[tilespmem:$0x1F800] =	vst v63  }
0x4e: {  	_ =	swait.ge [sflag:s18], $0x2800  }
0x4f: {  	[sflag:s18] =	ssyncset.done $0x0  }
0x50: {  	s28 =	simm.s32 $0x100;
	[sflag:s18] =	ssyncadd.s32 $0xFFFFD800  }
0x51: {  	[tilespmem:s21], [sflag:$0x1] =	stream.indirect.gather [hbm4b:s4+s20], $0x50, s28, s20, $0xb8;
	[tilespmem:$0x1F800] =	vst v63  }
0x52: {  	_ =	swait.ge [sflag:s24], $0x2800  }
0x53: {  	[sflag:s24] =	ssyncset.done $0x0  }
0x54: {  	s28 =	simm.s32 $0x2080;
	[sflag:s24] =	ssyncadd.s32 $0xFFFFD800  }
0x55: {  	[spmem:s2] =	stream.indirect.scatter.add.f32 [tilespmem:s22], [sflag:$0x3], $0x50, s28, s20, $0xb8;
	[tilespmem:$0x1F800] =	vst v63  }
0x56: {  	_ =	swait.ge [sflag:s18], $0x2800  }
0x57: {  	[sflag:s18] =	ssyncset.done $0x0  }
0x58: {  	s29 =	simm.s32 $0x180;
	s28 =	simm.s32 $0x400;
	[sflag:s18] =	ssyncadd.s32 $0xFFFFD800  }
.LBB2_4:
0x59: {  	[tilespmem:s22], [sflag:$0x2] =	stream.indirect.gather [hbm4b:s4+s20], $0x50, s29, s20, $0xb8;
	[tilespmem:$0x1F800] =	vst v63  }
0x5a: {  	s29 =	smov.u32 s28  }
0x5b: {  	p0 =	sne.s32 s28, $0x7800;
	s28 =	sadd.s32 $0x400, s28;
	_ =	swait.ge [sflag:s23], $0x2800  }
0x5c: {  	s29 =	sshra.s32 s29, $0x2;
	[sflag:s23] =	ssyncset.done $0x0  }
0x5d: {  	s30 =	sadd.s32 $0x2000, s29;
	[sflag:s23] =	ssyncadd.s32 $0xFFFFD800  }
0x5e: {  	[spmem:s2] =	stream.indirect.scatter.add.f32 [tilespmem:s21], [sflag:$0x3], $0x50, s30, s20, $0xb8;
	[tilespmem:$0x1F800] =	vst v63  }
0x5f: {  	_ =	swait.ge [sflag:s18], $0x2800  }
0x60: {  	[sflag:s18] =	ssyncset.done $0x0  }
0x61: {  	s30 =	sadd.s32 $0x100, s29;
	[sflag:s18] =	ssyncadd.s32 $0xFFFFD800  }
0x62: {  	[tilespmem:s21], [sflag:$0x1] =	stream.indirect.gather [hbm4b:s4+s20], $0x50, s30, s20, $0xb8;
	[tilespmem:$0x1F800] =	vst v63  }
0x63: {  	_ =	swait.ge [sflag:s24], $0x2800  }
0x64: {  	[sflag:s24] =	ssyncset.done $0x0  }
.Ltmp1:
0x65: {  	s30 =	sadd.s32 $0x2080, s29;
	[sflag:s24] =	ssyncadd.s32 $0xFFFFD800;
	(pc) =	sbr.rel @p0 .LBB2_4-.Ltmp1, $4  }
0x66: {  	[spmem:s2] =	stream.indirect.scatter.add.f32 [tilespmem:s22], [sflag:$0x3], $0x50, s30, s20, $0xb8;
	[tilespmem:$0x1F800] =	vst v63  }
0x67: {  	_ =	swait.ge [sflag:s18], $0x2800  }
0x68: {  	[sflag:s18] =	ssyncset.done $0x0  }
0x69: {  	s29 =	sadd.s32 $0x180, s29;
	[sflag:s18] =	ssyncadd.s32 $0xFFFFD800  }
0x6a: {  	[tilespmem:s22], [sflag:$0x2] =	stream.indirect.gather [hbm4b:s4+s20], $0x50, s29, s20, $0xb8;
	[tilespmem:$0x1F800] =	vst v63  }
0x6b: {  	_ =	swait.ge [sflag:s23], $0x2800  }
0x6c: {  	[sflag:s23] =	ssyncset.done $0x0  }
0x6d: {  	[sflag:s23] =	ssyncadd.s32 $0xFFFFD800  }
0x6e: {  	[spmem:s2] =	stream.indirect.scatter.add.f32 [tilespmem:s21], [sflag:$0x3], $0x50, s25, s20, $0xb8;
	[tilespmem:$0x1F800] =	vst v63  }
0x6f: {  	_ =	swait.ge [sflag:s18], $0x2800  }
0x70: {  	[sflag:s18] =	ssyncset.done $0x0  }
0x71: {  	[sflag:s18] =	ssyncadd.s32 $0xFFFFD800  }
0x72: {  	_ =	swait.ge [sflag:s24], $0x2800  }
0x73: {  	[sflag:s24] =	ssyncset.done $0x0  }
0x74: {  	[sflag:s24] =	ssyncadd.s32 $0xFFFFD800  }
0x75: {  	[spmem:s2] =	stream.indirect.scatter.add.f32 [tilespmem:s22], [sflag:$0x3], $0x50, s26, s20, $0xb8;
	[tilespmem:$0x1F800] =	vst v63  }
0x76: {  	_ =	swait.ge [sflag:s18], $0x2800  }
0x77: {  	s28 =	sshll.u32 s1, $0x6;
	s3 =	sadd.s32 $0x1, s3;
	[sflag:s18] =	ssyncset.done $0x0  }
0x78: {  	s31 =	sshrl.u32 s5, $0x3;
	p0 =	sne.s32 s3, s16;
	[sflag:s18] =	ssyncadd.s32 $0xFFFFD800  }
.Ltmp2:
0x79: {  	s28 =	sor.u32 $0x1C03, s28;
	[bflag:$0x0] =	sbarrier.arrive $0xFFFF;
	(pc) =	sbr.rel @p0 .LBB2_1-.Ltmp2, $4  }
0x7a: {  	[hbm:s15], [sflag:s28] =	dma.local [spmem:s31], $0x2800  }
0x7b: {  	_ =	swait.ge [sflag:s18], $0x2800  }
0x7c: {  	[sflag:s18] =	ssyncset.done $0x0  }
0x7d: {  	[sflag:s18] =	ssyncadd.s32 $0xFFFFD800  }
0x7e: {  	_ =	sfence.sel $0x180000  }
0x7f: {  	[bflag:$0x0] =	sbarrier.arrive $0xFFFF  }
0x80: {  	p0 =	sne.s32 s1, $0x0;
	_ =	strace $0x90000047  }
0x81: {  	s0 =	sadd.s32 @!p0 $0x100000, s0;
	[bflag:$0x2] =	sbarrier.arrive $0xFFFF  }
0x82: {  	[sflag:s0] =	ssyncadd.tile.s32 @!p0 $0x1;
	_ =	shalt  }
.Lfunc_end2:
_tile_overlayer_lowered:
.L_overlay_start_2:
0x83: {  	(tag) =	ssettag $0x2  }
0x84: {  	s0 =	rddreg [dreg:$0x0];
	s2 =	stileid.u32  }
0x85: {  	s1 =	rddreg [dreg:$0x1];
	p0 =	sne.s32 s2, $0x0  }
0x86: {  	s3 =	rddreg [dreg:$0x2];
	[bflag:$0x3] =	sbarrier.arrive $0xFFFF;
	s2 =	simm.s32 @!p0 $0x1C03  }
0x87: {  	[timem:s3], [sflag:s2] =	dma.local @!p0 [hbm:s0], s1  }
0x88: {  	s0 =	simm.s32 @!p0 $0x3  }
0x89: {  	_ =	swait.ge @!p0 [sflag:s0], s1  }
0x8a: {  	s1 =	ssub.s32 @!p0 $0x0, s1;
	[sflag:s0] =	ssyncset.done @!p0 $0x0  }
0x8b: {  	[sflag:s0] =	ssyncadd.s32 @!p0 s1  }
0x8c: {  	[bflag:$0x3] =	sbarrier.arrive $0xFFFF  }
0x8d: {  	_ =	shalt  }

</sc_bundles>
